<compile_context>
chip_gen: v7x
topology: tpu7x:2x2x1
jax: 0.10.2.dev20260603
libtpu: 0.0.44.dev20260713+nightly
codegen_flags: <defaults>
</compile_context>

<pallas_src>
import functools

import jax
import jax.numpy as jnp
from jax import lax
from jax.experimental import pallas as pl
from jax.experimental.pallas import tpu as pltpu
from jax.experimental.pallas import tpu_sc as plsc

K_EMB = 1024
D_DIM = 256
N_TOK = 16384
SPLITS = 1
N_PART = N_TOK // SPLITS
ROWS = 2048
GRID1 = N_PART // ROWS

SC_CORES = 2
SC_SUBCORES = 16
SC_WORKERS = SC_CORES * SC_SUBCORES
ROWS_PER_WORKER = N_PART // SC_WORKERS
SC_CHUNK = 64
SC_NCHUNKS = ROWS_PER_WORKER // SC_CHUNK
SC_NBUF = 4


def _argmin_body(x_ref, w_ref, b_ref, idx_ref, cnt_ref, loss_ref, perp_ref,
                 wn_ref, esum_ref):
    step = pl.program_id(0)

    @pl.when(step == 0)
    def _():
        w0 = w_ref[...]
        wn_ref[...] = lax.dot_general(
            jnp.ones((1, D_DIM), jnp.float32), w0 * w0,
            (((1,), (1,)), ((), ())),
            precision=lax.Precision.HIGHEST)

    x = x_ref[...]
    w = w_ref[...]
    x2 = jnp.sum(x * x, axis=1, keepdims=True)
    wn = wn_ref[...]
    mm = lax.dot_general(x, w, (((1,), (1,)), ((), ())),
                         preferred_element_type=jnp.float32)
    d = (x2 + wn) - 2.0 * mm
    m = jnp.min(d, axis=1, keepdims=True)
    col = lax.broadcasted_iota(jnp.int32, (ROWS, K_EMB), 1)
    idx = jnp.min(jnp.where(d == m, col, K_EMB), axis=1, keepdims=True)
    idx_ref[...] = idx
    part = jnp.sum((col == idx).astype(jnp.float32), axis=0, keepdims=True)
    es = jnp.sum(m, axis=0, keepdims=True)

    @pl.when(step == 0)
    def _():
        cnt_ref[...] = part
        esum_ref[...] = es

    @pl.when(step != 0)
    def _():
        cnt_ref[...] += part
        esum_ref[...] += es

    @pl.when(step == GRID1 - 1)
    def _():
        b = b_ref[...]
        counts = cnt_ref[...]
        esum = esum_ref[...]
        wn_col = jnp.sum(w * w, axis=1, keepdims=True)
        bw = lax.dot_general(b, w, (((1,), (0,)), ((), ())),
                             preferred_element_type=jnp.float32)
        t1 = lax.dot_general(b, wn_col, (((1,), (0,)), ((), ())),
                             preferred_element_type=jnp.float32)
        t2 = wn_col * jnp.sum(b, axis=1, keepdims=True)
        t3 = jnp.sum(w * bw, axis=1, keepdims=True)
        s = t1 + t2 - 2.0 * t3
        ksum = lax.dot_general(counts, s, (((1,), (0,)), ((), ())),
                               preferred_element_type=jnp.float32)
        inv_n = 1.0 / N_TOK
        loss_ref[...] = (esum * (1.25 / (N_TOK * D_DIM)) + ksum * inv_n)
        p = counts * inv_n
        ent = jnp.sum(p * jnp.log(p + 1e-10), axis=1, keepdims=True)
        perp_ref[...] = jnp.exp(-ent)


def _argmin_call(flat_part, w, bmat):
    return pl.pallas_call(
        _argmin_body,
        grid=(GRID1,),
        in_specs=[
            pl.BlockSpec((ROWS, D_DIM), lambda i: (i, 0)),
            pl.BlockSpec((K_EMB, D_DIM), lambda i: (0, 0)),
            pl.BlockSpec((K_EMB, K_EMB), lambda i: (0, 0)),
        ],
        out_specs=[
            pl.BlockSpec((ROWS, 1), lambda i: (i, 0)),
            pl.BlockSpec((1, K_EMB), lambda i: (0, 0)),
            pl.BlockSpec((1, 1), lambda i: (0, 0)),
            pl.BlockSpec((1, 1), lambda i: (0, 0)),
        ],
        out_shape=[
            jax.ShapeDtypeStruct((N_PART, 1), jnp.int32),
            jax.ShapeDtypeStruct((1, K_EMB), jnp.float32),
            jax.ShapeDtypeStruct((1, 1), jnp.float32),
            jax.ShapeDtypeStruct((1, 1), jnp.float32),
        ],
        scratch_shapes=[
            pltpu.VMEM((1, K_EMB), jnp.float32),
            pltpu.VMEM((1, 1), jnp.float32),
        ],
        compiler_params=pltpu.CompilerParams(
            dimension_semantics=("arbitrary",)),
    )(flat_part, w, bmat)


@functools.cache
def _make_sc_gather():
    mesh = plsc.VectorSubcoreMesh(core_axis_name="c", subcore_axis_name="s")

    @functools.partial(
        pl.kernel,
        out_type=jax.ShapeDtypeStruct((N_PART, D_DIM), jnp.float32),
        mesh=mesh,
        scratch_types=(
            [pltpu.VMEM((ROWS_PER_WORKER,), jnp.int32)]
            + [pltpu.VMEM((SC_CHUNK, D_DIM), jnp.float32)] * SC_NBUF
            + [pltpu.SemaphoreType.DMA] * (2 * SC_NBUF)
        ),
    )
    def _sc_gather(w_hbm, idx_hbm, out_hbm, idx_v, *rest):
        bufs = rest[:SC_NBUF]
        gsems = rest[SC_NBUF:2 * SC_NBUF]
        wsems = rest[2 * SC_NBUF:3 * SC_NBUF]
        wid = lax.axis_index("s") * SC_CORES + lax.axis_index("c")
        base = wid * ROWS_PER_WORKER
        pltpu.sync_copy(idx_hbm.at[pl.ds(base, ROWS_PER_WORKER)], idx_v)

        def gather(c):
            b = c % SC_NBUF
            return pltpu.async_copy(
                w_hbm.at[idx_v.at[pl.ds(c * SC_CHUNK, SC_CHUNK)]],
                bufs[b], gsems[b])

        def write(c):
            b = c % SC_NBUF
            return pltpu.async_copy(
                bufs[b], out_hbm.at[pl.ds(base + c * SC_CHUNK, SC_CHUNK)],
                wsems[b])

        g = {c: gather(c) for c in range(min(SC_NBUF, SC_NCHUNKS))}
        wr = {}
        for c in range(SC_NCHUNKS):
            g[c].wait()
            wr[c] = write(c)
            nxt = c + SC_NBUF
            if nxt < SC_NCHUNKS:
                wr[c].wait()
                g[nxt] = gather(nxt)
        for c in range(max(0, SC_NCHUNKS - SC_NBUF), SC_NCHUNKS):
            wr[c].wait()

    return _sc_gather


def kernel(inputs, w, bmat):
    flat = inputs.reshape(-1, D_DIM)
    idx2d, _counts, loss2d, perp2d = _argmin_call(flat, w, bmat)
    quant_flat = _make_sc_gather()(w, idx2d.reshape(-1))
    quantized = quant_flat.reshape(inputs.shape)
    return loss2d[0, 0], quantized, perp2d[0, 0], idx2d

# --- scband reference (transcript-rebuilt; emitter-appended) ---
"""Pipeline reference for scband-gdsom-927712936093 (READ-ONLY COPY).

The authoritative reference and input builder live on the scoring server;
editing this copy changes nothing except your own understanding.
"""

import jax, jax.numpy as jnp
import numpy as np

NUM_EMB = 1024
EMB_DIM = 256
GRID_SHAPE = (32, 32)
COMMITMENT_COST = 0.25
KOHONEN_COST = 1.0
SIGMA = 2.0


def _build_blur_matrix():
    # Grid: id -> coord via repeated mod/div (matches Grid.init)
    n = NUM_EMB
    coords = np.zeros((n, len(GRID_SHAPE)), dtype=np.float32)
    for i in range(n):
        i_rem = i
        for d, s in enumerate(GRID_SHAPE):
            coords[i, d] = i_rem % s
            i_rem //= s
    dist = np.linalg.norm(coords[None, :, :] - coords[:, None, :], axis=-1)
    # Gaussian SOM neighborhood blur at step=counter=0
    bmat = np.exp(-(dist ** 2) / (2.0 * SIGMA ** 2)).astype(np.float32)
    return jnp.asarray(bmat)


def setup_inputs(seed: int = 0) -> dict:
    key = jax.random.key(seed)
    k1, k2 = jax.random.split(key)
    inputs = jax.random.normal(k1, (16, 1024, EMB_DIM), dtype=jnp.float32)
    w = jax.random.normal(k2, (NUM_EMB, EMB_DIM), dtype=jnp.float32)
    bmat = _build_blur_matrix()
    return {"inputs": inputs, "w": w, "bmat": bmat}


def reference(inputs, w, bmat):
    input_shape = inputs.shape
    flat = inputs.reshape(-1, EMB_DIM)
    # nearest-codebook search (no_grad in torch; argmin is non-diff anyway)
    distances = (jnp.sum(flat ** 2, axis=1, keepdims=True)
                 + jnp.sum(w ** 2, axis=1)
                 - 2.0 * flat @ w.T)
    encoding_indices = jnp.argmin(distances, axis=1)  # [N]
    encodings = jax.nn.one_hot(encoding_indices, NUM_EMB, dtype=jnp.float32)
    quantized = jnp.take(w, encoding_indices, axis=0).reshape(input_shape)
    qd = jax.lax.stop_gradient(quantized)
    # l2_batch(w, quantized.unsqueeze(-2).detach()) -> [B, HW, K] -> [N, K]
    xn = jnp.sum(w ** 2, axis=-1)                 # [K]
    yn = jnp.sum(qd ** 2, axis=-1)[..., None]     # [B, HW, 1]
    mm = jnp.einsum('kd,bhd->bhk', w, qd)         # [B, HW, K]
    diff = (xn + yn - 2.0 * mm).reshape(-1, NUM_EMB)  # [N, K]
    selected = jnp.take(bmat, encoding_indices, axis=0)  # [N, K]
    kohonen_loss = jnp.mean(jnp.sum(diff * selected, axis=-1))
    avg_probs = jnp.mean(encodings, axis=0)
    perplexity = jnp.exp(-jnp.sum(avg_probs * jnp.log(avg_probs + 1e-10)))
    e_latent_loss = jnp.mean((qd - inputs) ** 2)
    q_latent_loss = jnp.mean((quantized - jax.lax.stop_gradient(inputs)) ** 2)
    loss = q_latent_loss + COMMITMENT_COST * e_latent_loss + KOHONEN_COST * kohonen_loss
    quantized_st = inputs + jax.lax.stop_gradient(quantized - inputs)
    return loss, quantized_st, perplexity, encoding_indices[:, None]

if __name__ == "__main__":
    import jax
    _d = setup_inputs()
    print(jax.jit(kernel)(*tuple(_d.values())))

</pallas_src>

<mosaic_0001>
#map = affine_map<(d0, d1) -> (0, 0)>
#map1 = affine_map<(d0, d1) -> (0)>
module attributes {stable_mosaic.version = 14 : i64} {
  func.func @_sc_gather(%arg0: i32, %arg1: i32, %arg2: memref<1024x256xf32, #tpu.memory_space<hbm>>, %arg3: memref<16384xi32, #tpu.memory_space<hbm>>, %arg4: memref<16384x256xf32, #tpu.memory_space<hbm>>, %arg5: memref<512xi32, #tpu.memory_space<vmem>>, %arg6: memref<64x256xf32, #tpu.memory_space<vmem>>, %arg7: memref<64x256xf32, #tpu.memory_space<vmem>>, %arg8: memref<64x256xf32, #tpu.memory_space<vmem>>, %arg9: memref<64x256xf32, #tpu.memory_space<vmem>>, %arg10: memref<!tpu.dma_semaphore, #tpu.memory_space<semaphore_mem>>, %arg11: memref<!tpu.dma_semaphore, #tpu.memory_space<semaphore_mem>>, %arg12: memref<!tpu.dma_semaphore, #tpu.memory_space<semaphore_mem>>, %arg13: memref<!tpu.dma_semaphore, #tpu.memory_space<semaphore_mem>>, %arg14: memref<!tpu.dma_semaphore, #tpu.memory_space<semaphore_mem>>, %arg15: memref<!tpu.dma_semaphore, #tpu.memory_space<semaphore_mem>>, %arg16: memref<!tpu.dma_semaphore, #tpu.memory_space<semaphore_mem>>, %arg17: memref<!tpu.dma_semaphore, #tpu.memory_space<semaphore_mem>>) attributes {dimension_semantics = [#tpu.dimension_semantics<core_parallel>, #tpu.dimension_semantics<subcore_parallel>], iteration_bounds = array<i64: 2, 16>, scalar_prefetch = 0 : i64, scratch_operands = 13 : i64, tpu.core_type = #tpu.core_type<sc_vector_subcore>, window_params = [{transform_indices = #map}, {transform_indices = #map1}, {transform_indices = #map}]} {
    %mul3A = arith.constant 2 : i32
    %mul3A_0 = arith.muli %arg1, %mul3A : i32
    %add3A = arith.addi %mul3A_0, %arg0 : i32
    %mul3A_1 = arith.constant 512 : i32
    %mul3A_2 = arith.muli %add3A, %mul3A_1 : i32
    "tpu.region"() ({
      %run_scoped3A = tpu.sem_alloc : memref<!tpu.dma_semaphore, #tpu.memory_space<semaphore_mem>>
      %dma_start3A_161 = tpu.memref_slice %arg3[%mul3A_2] : memref<16384xi32, #tpu.memory_space<hbm>> -> memref<512xi32, #tpu.memory_space<hbm>>
      %dma_start3A_162 = tpu.memref_slice %arg3[%mul3A_2] : memref<16384xi32, #tpu.memory_space<hbm>> -> memref<512xi32, #tpu.memory_space<hbm>>
      tpu.enqueue_dma source(%dma_start3A_162 : memref<512xi32, #tpu.memory_space<hbm>>) target(%arg5 : memref<512xi32, #tpu.memory_space<vmem>>) target_semaphore(%run_scoped3A : memref<!tpu.dma_semaphore, #tpu.memory_space<semaphore_mem>>)
      %dma_wait3A_163 = tpu.memref_slice %arg3[%mul3A_2] : memref<16384xi32, #tpu.memory_space<hbm>> -> memref<512xi32, #tpu.memory_space<hbm>>
      %dma_wait3A_164 = tpu.memref_slice %arg3[%mul3A_2] : memref<16384xi32, #tpu.memory_space<hbm>> -> memref<512xi32, #tpu.memory_space<hbm>>
      tpu.wait_dma2 semaphore(%run_scoped3A : memref<!tpu.dma_semaphore, #tpu.memory_space<semaphore_mem>>) src(%dma_wait3A_164 : memref<512xi32, #tpu.memory_space<hbm>>) dst(%arg5 : memref<512xi32, #tpu.memory_space<vmem>>)
      tpu.yield
    }) : () -> ()
    %dma_start3A = arith.constant 0 : i32
    %dma_start3A_3 = tpu.memref_slice %arg5[%dma_start3A] : memref<512xi32, #tpu.memory_space<vmem>> -> memref<64xi32, #tpu.memory_space<vmem>>
    %dma_start3A_4 = arith.constant 0 : i32
    %dma_start3A_5 = arith.constant 0 : i32
    %dma_start3A_6 = tpu.memref_slice %arg2[%dma_start3A_4, %dma_start3A_5] : memref<1024x256xf32, #tpu.memory_space<hbm>> -> memref<1024x256xf32, #tpu.memory_space<hbm>>
    tpu.enqueue_indirect_dma source(%dma_start3A_6 : memref<1024x256xf32, #tpu.memory_space<hbm>>) target(%arg6 : memref<64x256xf32, #tpu.memory_space<vmem>>) offsets(%dma_start3A_3 : memref<64xi32, #tpu.memory_space<vmem>>) semaphore(%arg10 : memref<!tpu.dma_semaphore, #tpu.memory_space<semaphore_mem>>)
    %dma_start3A_7 = arith.constant 64 : i32
    %dma_start3A_8 = tpu.memref_slice %arg5[%dma_start3A_7] : memref<512xi32, #tpu.memory_space<vmem>> -> memref<64xi32, #tpu.memory_space<vmem>>
    %dma_start3A_9 = arith.constant 0 : i32
    %dma_start3A_10 = arith.constant 0 : i32
    %dma_start3A_11 = tpu.memref_slice %arg2[%dma_start3A_9, %dma_start3A_10] : memref<1024x256xf32, #tpu.memory_space<hbm>> -> memref<1024x256xf32, #tpu.memory_space<hbm>>
    tpu.enqueue_indirect_dma source(%dma_start3A_11 : memref<1024x256xf32, #tpu.memory_space<hbm>>) target(%arg7 : memref<64x256xf32, #tpu.memory_space<vmem>>) offsets(%dma_start3A_8 : memref<64xi32, #tpu.memory_space<vmem>>) semaphore(%arg11 : memref<!tpu.dma_semaphore, #tpu.memory_space<semaphore_mem>>)
    %dma_start3A_12 = arith.constant 128 : i32
    %dma_start3A_13 = tpu.memref_slice %arg5[%dma_start3A_12] : memref<512xi32, #tpu.memory_space<vmem>> -> memref<64xi32, #tpu.memory_space<vmem>>
    %dma_start3A_14 = arith.constant 0 : i32
    %dma_start3A_15 = arith.constant 0 : i32
    %dma_start3A_16 = tpu.memref_slice %arg2[%dma_start3A_14, %dma_start3A_15] : memref<1024x256xf32, #tpu.memory_space<hbm>> -> memref<1024x256xf32, #tpu.memory_space<hbm>>
    tpu.enqueue_indirect_dma source(%dma_start3A_16 : memref<1024x256xf32, #tpu.memory_space<hbm>>) target(%arg8 : memref<64x256xf32, #tpu.memory_space<vmem>>) offsets(%dma_start3A_13 : memref<64xi32, #tpu.memory_space<vmem>>) semaphore(%arg12 : memref<!tpu.dma_semaphore, #tpu.memory_space<semaphore_mem>>)
    %dma_start3A_17 = arith.constant 192 : i32
    %dma_start3A_18 = tpu.memref_slice %arg5[%dma_start3A_17] : memref<512xi32, #tpu.memory_space<vmem>> -> memref<64xi32, #tpu.memory_space<vmem>>
    %dma_start3A_19 = arith.constant 0 : i32
    %dma_start3A_20 = arith.constant 0 : i32
    %dma_start3A_21 = tpu.memref_slice %arg2[%dma_start3A_19, %dma_start3A_20] : memref<1024x256xf32, #tpu.memory_space<hbm>> -> memref<1024x256xf32, #tpu.memory_space<hbm>>
    tpu.enqueue_indirect_dma source(%dma_start3A_21 : memref<1024x256xf32, #tpu.memory_space<hbm>>) target(%arg9 : memref<64x256xf32, #tpu.memory_space<vmem>>) offsets(%dma_start3A_18 : memref<64xi32, #tpu.memory_space<vmem>>) semaphore(%arg13 : memref<!tpu.dma_semaphore, #tpu.memory_space<semaphore_mem>>)
    %dma_wait3A = arith.constant 0 : i32
    %dma_wait3A_22 = tpu.memref_slice %arg5[%dma_wait3A] : memref<512xi32, #tpu.memory_space<vmem>> -> memref<64xi32, #tpu.memory_space<vmem>>
    %dma_wait3A_23 = arith.constant 0 : i32
    %dma_wait3A_24 = arith.constant 0 : i32
    %dma_wait3A_25 = tpu.memref_slice %arg2[%dma_wait3A_23, %dma_wait3A_24] : memref<1024x256xf32, #tpu.memory_space<hbm>> -> memref<1024x256xf32, #tpu.memory_space<hbm>>
    tpu.wait_indirect_dma semaphore(%arg10 : memref<!tpu.dma_semaphore, #tpu.memory_space<semaphore_mem>>) src(%dma_wait3A_25 : memref<1024x256xf32, #tpu.memory_space<hbm>>) dst(%arg6 : memref<64x256xf32, #tpu.memory_space<vmem>>)
    %add3A_26 = arith.constant 0 : i32
    %add3A_27 = arith.addi %mul3A_2, %add3A_26 : i32
    %dma_start3A_28 = arith.constant 0 : i32
    %dma_start3A_29 = tpu.memref_slice %arg4[%add3A_27, %dma_start3A_28] : memref<16384x256xf32, #tpu.memory_space<hbm>> -> memref<64x256xf32, #tpu.memory_space<hbm>>
    %dma_start3A_30 = arith.constant 0 : i32
    %dma_start3A_31 = tpu.memref_slice %arg4[%add3A_27, %dma_start3A_30] : memref<16384x256xf32, #tpu.memory_space<hbm>> -> memref<64x256xf32, #tpu.memory_space<hbm>>
    tpu.enqueue_dma source(%arg6 : memref<64x256xf32, #tpu.memory_space<vmem>>) target(%dma_start3A_31 : memref<64x256xf32, #tpu.memory_space<hbm>>) target_semaphore(%arg14 : memref<!tpu.dma_semaphore, #tpu.memory_space<semaphore_mem>>)
    %dma_wait3A_32 = arith.constant 0 : i32
    %dma_wait3A_33 = tpu.memref_slice %arg4[%add3A_27, %dma_wait3A_32] : memref<16384x256xf32, #tpu.memory_space<hbm>> -> memref<64x256xf32, #tpu.memory_space<hbm>>
    %dma_wait3A_34 = arith.constant 0 : i32
    %dma_wait3A_35 = tpu.memref_slice %arg4[%add3A_27, %dma_wait3A_34] : memref<16384x256xf32, #tpu.memory_space<hbm>> -> memref<64x256xf32, #tpu.memory_space<hbm>>
    tpu.wait_dma2 semaphore(%arg14 : memref<!tpu.dma_semaphore, #tpu.memory_space<semaphore_mem>>) src(%arg6 : memref<64x256xf32, #tpu.memory_space<vmem>>) dst(%dma_wait3A_35 : memref<64x256xf32, #tpu.memory_space<hbm>>)
    %dma_start3A_36 = arith.constant 256 : i32
    %dma_start3A_37 = tpu.memref_slice %arg5[%dma_start3A_36] : memref<512xi32, #tpu.memory_space<vmem>> -> memref<64xi32, #tpu.memory_space<vmem>>
    %dma_start3A_38 = arith.constant 0 : i32
    %dma_start3A_39 = arith.constant 0 : i32
    %dma_start3A_40 = tpu.memref_slice %arg2[%dma_start3A_38, %dma_start3A_39] : memref<1024x256xf32, #tpu.memory_space<hbm>> -> memref<1024x256xf32, #tpu.memory_space<hbm>>
    tpu.enqueue_indirect_dma source(%dma_start3A_40 : memref<1024x256xf32, #tpu.memory_space<hbm>>) target(%arg6 : memref<64x256xf32, #tpu.memory_space<vmem>>) offsets(%dma_start3A_37 : memref<64xi32, #tpu.memory_space<vmem>>) semaphore(%arg10 : memref<!tpu.dma_semaphore, #tpu.memory_space<semaphore_mem>>)
    %dma_wait3A_41 = arith.constant 64 : i32
    %dma_wait3A_42 = tpu.memref_slice %arg5[%dma_wait3A_41] : memref<512xi32, #tpu.memory_space<vmem>> -> memref<64xi32, #tpu.memory_space<vmem>>
    %dma_wait3A_43 = arith.constant 0 : i32
    %dma_wait3A_44 = arith.constant 0 : i32
    %dma_wait3A_45 = tpu.memref_slice %arg2[%dma_wait3A_43, %dma_wait3A_44] : memref<1024x256xf32, #tpu.memory_space<hbm>> -> memref<1024x256xf32, #tpu.memory_space<hbm>>
    tpu.wait_indirect_dma semaphore(%arg11 : memref<!tpu.dma_semaphore, #tpu.memory_space<semaphore_mem>>) src(%dma_wait3A_45 : memref<1024x256xf32, #tpu.memory_space<hbm>>) dst(%arg7 : memref<64x256xf32, #tpu.memory_space<vmem>>)
    %add3A_46 = arith.constant 64 : i32
    %add3A_47 = arith.addi %mul3A_2, %add3A_46 : i32
    %dma_start3A_48 = arith.constant 0 : i32
    %dma_start3A_49 = tpu.memref_slice %arg4[%add3A_47, %dma_start3A_48] : memref<16384x256xf32, #tpu.memory_space<hbm>> -> memref<64x256xf32, #tpu.memory_space<hbm>>
    %dma_start3A_50 = arith.constant 0 : i32
    %dma_start3A_51 = tpu.memref_slice %arg4[%add3A_47, %dma_start3A_50] : memref<16384x256xf32, #tpu.memory_space<hbm>> -> memref<64x256xf32, #tpu.memory_space<hbm>>
    tpu.enqueue_dma source(%arg7 : memref<64x256xf32, #tpu.memory_space<vmem>>) target(%dma_start3A_51 : memref<64x256xf32, #tpu.memory_space<hbm>>) target_semaphore(%arg15 : memref<!tpu.dma_semaphore, #tpu.memory_space<semaphore_mem>>)
    %dma_wait3A_52 = arith.constant 0 : i32
    %dma_wait3A_53 = tpu.memref_slice %arg4[%add3A_47, %dma_wait3A_52] : memref<16384x256xf32, #tpu.memory_space<hbm>> -> memref<64x256xf32, #tpu.memory_space<hbm>>
    %dma_wait3A_54 = arith.constant 0 : i32
    %dma_wait3A_55 = tpu.memref_slice %arg4[%add3A_47, %dma_wait3A_54] : memref<16384x256xf32, #tpu.memory_space<hbm>> -> memref<64x256xf32, #tpu.memory_space<hbm>>
    tpu.wait_dma2 semaphore(%arg15 : memref<!tpu.dma_semaphore, #tpu.memory_space<semaphore_mem>>) src(%arg7 : memref<64x256xf32, #tpu.memory_space<vmem>>) dst(%dma_wait3A_55 : memref<64x256xf32, #tpu.memory_space<hbm>>)
    %dma_start3A_56 = arith.constant 320 : i32
    %dma_start3A_57 = tpu.memref_slice %arg5[%dma_start3A_56] : memref<512xi32, #tpu.memory_space<vmem>> -> memref<64xi32, #tpu.memory_space<vmem>>
    %dma_start3A_58 = arith.constant 0 : i32
    %dma_start3A_59 = arith.constant 0 : i32
    %dma_start3A_60 = tpu.memref_slice %arg2[%dma_start3A_58, %dma_start3A_59] : memref<1024x256xf32, #tpu.memory_space<hbm>> -> memref<1024x256xf32, #tpu.memory_space<hbm>>
    tpu.enqueue_indirect_dma source(%dma_start3A_60 : memref<1024x256xf32, #tpu.memory_space<hbm>>) target(%arg7 : memref<64x256xf32, #tpu.memory_space<vmem>>) offsets(%dma_start3A_57 : memref<64xi32, #tpu.memory_space<vmem>>) semaphore(%arg11 : memref<!tpu.dma_semaphore, #tpu.memory_space<semaphore_mem>>)
    %dma_wait3A_61 = arith.constant 128 : i32
    %dma_wait3A_62 = tpu.memref_slice %arg5[%dma_wait3A_61] : memref<512xi32, #tpu.memory_space<vmem>> -> memref<64xi32, #tpu.memory_space<vmem>>
    %dma_wait3A_63 = arith.constant 0 : i32
    %dma_wait3A_64 = arith.constant 0 : i32
    %dma_wait3A_65 = tpu.memref_slice %arg2[%dma_wait3A_63, %dma_wait3A_64] : memref<1024x256xf32, #tpu.memory_space<hbm>> -> memref<1024x256xf32, #tpu.memory_space<hbm>>
    tpu.wait_indirect_dma semaphore(%arg12 : memref<!tpu.dma_semaphore, #tpu.memory_space<semaphore_mem>>) src(%dma_wait3A_65 : memref<1024x256xf32, #tpu.memory_space<hbm>>) dst(%arg8 : memref<64x256xf32, #tpu.memory_space<vmem>>)
    %add3A_66 = arith.constant 128 : i32
    %add3A_67 = arith.addi %mul3A_2, %add3A_66 : i32
    %dma_start3A_68 = arith.constant 0 : i32
    %dma_start3A_69 = tpu.memref_slice %arg4[%add3A_67, %dma_start3A_68] : memref<16384x256xf32, #tpu.memory_space<hbm>> -> memref<64x256xf32, #tpu.memory_space<hbm>>
    %dma_start3A_70 = arith.constant 0 : i32
    %dma_start3A_71 = tpu.memref_slice %arg4[%add3A_67, %dma_start3A_70] : memref<16384x256xf32, #tpu.memory_space<hbm>> -> memref<64x256xf32, #tpu.memory_space<hbm>>
    tpu.enqueue_dma source(%arg8 : memref<64x256xf32, #tpu.memory_space<vmem>>) target(%dma_start3A_71 : memref<64x256xf32, #tpu.memory_space<hbm>>) target_semaphore(%arg16 : memref<!tpu.dma_semaphore, #tpu.memory_space<semaphore_mem>>)
    %dma_wait3A_72 = arith.constant 0 : i32
    %dma_wait3A_73 = tpu.memref_slice %arg4[%add3A_67, %dma_wait3A_72] : memref<16384x256xf32, #tpu.memory_space<hbm>> -> memref<64x256xf32, #tpu.memory_space<hbm>>
    %dma_wait3A_74 = arith.constant 0 : i32
    %dma_wait3A_75 = tpu.memref_slice %arg4[%add3A_67, %dma_wait3A_74] : memref<16384x256xf32, #tpu.memory_space<hbm>> -> memref<64x256xf32, #tpu.memory_space<hbm>>
    tpu.wait_dma2 semaphore(%arg16 : memref<!tpu.dma_semaphore, #tpu.memory_space<semaphore_mem>>) src(%arg8 : memref<64x256xf32, #tpu.memory_space<vmem>>) dst(%dma_wait3A_75 : memref<64x256xf32, #tpu.memory_space<hbm>>)
    %dma_start3A_76 = arith.constant 384 : i32
    %dma_start3A_77 = tpu.memref_slice %arg5[%dma_start3A_76] : memref<512xi32, #tpu.memory_space<vmem>> -> memref<64xi32, #tpu.memory_space<vmem>>
    %dma_start3A_78 = arith.constant 0 : i32
    %dma_start3A_79 = arith.constant 0 : i32
    %dma_start3A_80 = tpu.memref_slice %arg2[%dma_start3A_78, %dma_start3A_79] : memref<1024x256xf32, #tpu.memory_space<hbm>> -> memref<1024x256xf32, #tpu.memory_space<hbm>>
    tpu.enqueue_indirect_dma source(%dma_start3A_80 : memref<1024x256xf32, #tpu.memory_space<hbm>>) target(%arg8 : memref<64x256xf32, #tpu.memory_space<vmem>>) offsets(%dma_start3A_77 : memref<64xi32, #tpu.memory_space<vmem>>) semaphore(%arg12 : memref<!tpu.dma_semaphore, #tpu.memory_space<semaphore_mem>>)
    %dma_wait3A_81 = arith.constant 192 : i32
    %dma_wait3A_82 = tpu.memref_slice %arg5[%dma_wait3A_81] : memref<512xi32, #tpu.memory_space<vmem>> -> memref<64xi32, #tpu.memory_space<vmem>>
    %dma_wait3A_83 = arith.constant 0 : i32
    %dma_wait3A_84 = arith.constant 0 : i32
    %dma_wait3A_85 = tpu.memref_slice %arg2[%dma_wait3A_83, %dma_wait3A_84] : memref<1024x256xf32, #tpu.memory_space<hbm>> -> memref<1024x256xf32, #tpu.memory_space<hbm>>
    tpu.wait_indirect_dma semaphore(%arg13 : memref<!tpu.dma_semaphore, #tpu.memory_space<semaphore_mem>>) src(%dma_wait3A_85 : memref<1024x256xf32, #tpu.memory_space<hbm>>) dst(%arg9 : memref<64x256xf32, #tpu.memory_space<vmem>>)
    %add3A_86 = arith.constant 192 : i32
    %add3A_87 = arith.addi %mul3A_2, %add3A_86 : i32
    %dma_start3A_88 = arith.constant 0 : i32
    %dma_start3A_89 = tpu.memref_slice %arg4[%add3A_87, %dma_start3A_88] : memref<16384x256xf32, #tpu.memory_space<hbm>> -> memref<64x256xf32, #tpu.memory_space<hbm>>
    %dma_start3A_90 = arith.constant 0 : i32
    %dma_start3A_91 = tpu.memref_slice %arg4[%add3A_87, %dma_start3A_90] : memref<16384x256xf32, #tpu.memory_space<hbm>> -> memref<64x256xf32, #tpu.memory_space<hbm>>
    tpu.enqueue_dma source(%arg9 : memref<64x256xf32, #tpu.memory_space<vmem>>) target(%dma_start3A_91 : memref<64x256xf32, #tpu.memory_space<hbm>>) target_semaphore(%arg17 : memref<!tpu.dma_semaphore, #tpu.memory_space<semaphore_mem>>)
    %dma_wait3A_92 = arith.constant 0 : i32
    %dma_wait3A_93 = tpu.memref_slice %arg4[%add3A_87, %dma_wait3A_92] : memref<16384x256xf32, #tpu.memory_space<hbm>> -> memref<64x256xf32, #tpu.memory_space<hbm>>
    %dma_wait3A_94 = arith.constant 0 : i32
    %dma_wait3A_95 = tpu.memref_slice %arg4[%add3A_87, %dma_wait3A_94] : memref<16384x256xf32, #tpu.memory_space<hbm>> -> memref<64x256xf32, #tpu.memory_space<hbm>>
    tpu.wait_dma2 semaphore(%arg17 : memref<!tpu.dma_semaphore, #tpu.memory_space<semaphore_mem>>) src(%arg9 : memref<64x256xf32, #tpu.memory_space<vmem>>) dst(%dma_wait3A_95 : memref<64x256xf32, #tpu.memory_space<hbm>>)
    %dma_start3A_96 = arith.constant 448 : i32
    %dma_start3A_97 = tpu.memref_slice %arg5[%dma_start3A_96] : memref<512xi32, #tpu.memory_space<vmem>> -> memref<64xi32, #tpu.memory_space<vmem>>
    %dma_start3A_98 = arith.constant 0 : i32
    %dma_start3A_99 = arith.constant 0 : i32
    %dma_start3A_100 = tpu.memref_slice %arg2[%dma_start3A_98, %dma_start3A_99] : memref<1024x256xf32, #tpu.memory_space<hbm>> -> memref<1024x256xf32, #tpu.memory_space<hbm>>
    tpu.enqueue_indirect_dma source(%dma_start3A_100 : memref<1024x256xf32, #tpu.memory_space<hbm>>) target(%arg9 : memref<64x256xf32, #tpu.memory_space<vmem>>) offsets(%dma_start3A_97 : memref<64xi32, #tpu.memory_space<vmem>>) semaphore(%arg13 : memref<!tpu.dma_semaphore, #tpu.memory_space<semaphore_mem>>)
    %dma_wait3A_101 = arith.constant 256 : i32
    %dma_wait3A_102 = tpu.memref_slice %arg5[%dma_wait3A_101] : memref<512xi32, #tpu.memory_space<vmem>> -> memref<64xi32, #tpu.memory_space<vmem>>
    %dma_wait3A_103 = arith.constant 0 : i32
    %dma_wait3A_104 = arith.constant 0 : i32
    %dma_wait3A_105 = tpu.memref_slice %arg2[%dma_wait3A_103, %dma_wait3A_104] : memref<1024x256xf32, #tpu.memory_space<hbm>> -> memref<1024x256xf32, #tpu.memory_space<hbm>>
    tpu.wait_indirect_dma semaphore(%arg10 : memref<!tpu.dma_semaphore, #tpu.memory_space<semaphore_mem>>) src(%dma_wait3A_105 : memref<1024x256xf32, #tpu.memory_space<hbm>>) dst(%arg6 : memref<64x256xf32, #tpu.memory_space<vmem>>)
    %add3A_106 = arith.constant 256 : i32
    %add3A_107 = arith.addi %mul3A_2, %add3A_106 : i32
    %dma_start3A_108 = arith.constant 0 : i32
    %dma_start3A_109 = tpu.memref_slice %arg4[%add3A_107, %dma_start3A_108] : memref<16384x256xf32, #tpu.memory_space<hbm>> -> memref<64x256xf32, #tpu.memory_space<hbm>>
    %dma_start3A_110 = arith.constant 0 : i32
    %dma_start3A_111 = tpu.memref_slice %arg4[%add3A_107, %dma_start3A_110] : memref<16384x256xf32, #tpu.memory_space<hbm>> -> memref<64x256xf32, #tpu.memory_space<hbm>>
    tpu.enqueue_dma source(%arg6 : memref<64x256xf32, #tpu.memory_space<vmem>>) target(%dma_start3A_111 : memref<64x256xf32, #tpu.memory_space<hbm>>) target_semaphore(%arg14 : memref<!tpu.dma_semaphore, #tpu.memory_space<semaphore_mem>>)
    %dma_wait3A_112 = arith.constant 320 : i32
    %dma_wait3A_113 = tpu.memref_slice %arg5[%dma_wait3A_112] : memref<512xi32, #tpu.memory_space<vmem>> -> memref<64xi32, #tpu.memory_space<vmem>>
    %dma_wait3A_114 = arith.constant 0 : i32
    %dma_wait3A_115 = arith.constant 0 : i32
    %dma_wait3A_116 = tpu.memref_slice %arg2[%dma_wait3A_114, %dma_wait3A_115] : memref<1024x256xf32, #tpu.memory_space<hbm>> -> memref<1024x256xf32, #tpu.memory_space<hbm>>
    tpu.wait_indirect_dma semaphore(%arg11 : memref<!tpu.dma_semaphore, #tpu.memory_space<semaphore_mem>>) src(%dma_wait3A_116 : memref<1024x256xf32, #tpu.memory_space<hbm>>) dst(%arg7 : memref<64x256xf32, #tpu.memory_space<vmem>>)
    %add3A_117 = arith.constant 320 : i32
    %add3A_118 = arith.addi %mul3A_2, %add3A_117 : i32
    %dma_start3A_119 = arith.constant 0 : i32
    %dma_start3A_120 = tpu.memref_slice %arg4[%add3A_118, %dma_start3A_119] : memref<16384x256xf32, #tpu.memory_space<hbm>> -> memref<64x256xf32, #tpu.memory_space<hbm>>
    %dma_start3A_121 = arith.constant 0 : i32
    %dma_start3A_122 = tpu.memref_slice %arg4[%add3A_118, %dma_start3A_121] : memref<16384x256xf32, #tpu.memory_space<hbm>> -> memref<64x256xf32, #tpu.memory_space<hbm>>
    tpu.enqueue_dma source(%arg7 : memref<64x256xf32, #tpu.memory_space<vmem>>) target(%dma_start3A_122 : memref<64x256xf32, #tpu.memory_space<hbm>>) target_semaphore(%arg15 : memref<!tpu.dma_semaphore, #tpu.memory_space<semaphore_mem>>)
    %dma_wait3A_123 = arith.constant 384 : i32
    %dma_wait3A_124 = tpu.memref_slice %arg5[%dma_wait3A_123] : memref<512xi32, #tpu.memory_space<vmem>> -> memref<64xi32, #tpu.memory_space<vmem>>
    %dma_wait3A_125 = arith.constant 0 : i32
    %dma_wait3A_126 = arith.constant 0 : i32
    %dma_wait3A_127 = tpu.memref_slice %arg2[%dma_wait3A_125, %dma_wait3A_126] : memref<1024x256xf32, #tpu.memory_space<hbm>> -> memref<1024x256xf32, #tpu.memory_space<hbm>>
    tpu.wait_indirect_dma semaphore(%arg12 : memref<!tpu.dma_semaphore, #tpu.memory_space<semaphore_mem>>) src(%dma_wait3A_127 : memref<1024x256xf32, #tpu.memory_space<hbm>>) dst(%arg8 : memref<64x256xf32, #tpu.memory_space<vmem>>)
    %add3A_128 = arith.constant 384 : i32
    %add3A_129 = arith.addi %mul3A_2, %add3A_128 : i32
    %dma_start3A_130 = arith.constant 0 : i32
    %dma_start3A_131 = tpu.memref_slice %arg4[%add3A_129, %dma_start3A_130] : memref<16384x256xf32, #tpu.memory_space<hbm>> -> memref<64x256xf32, #tpu.memory_space<hbm>>
    %dma_start3A_132 = arith.constant 0 : i32
    %dma_start3A_133 = tpu.memref_slice %arg4[%add3A_129, %dma_start3A_132] : memref<16384x256xf32, #tpu.memory_space<hbm>> -> memref<64x256xf32, #tpu.memory_space<hbm>>
    tpu.enqueue_dma source(%arg8 : memref<64x256xf32, #tpu.memory_space<vmem>>) target(%dma_start3A_133 : memref<64x256xf32, #tpu.memory_space<hbm>>) target_semaphore(%arg16 : memref<!tpu.dma_semaphore, #tpu.memory_space<semaphore_mem>>)
    %dma_wait3A_134 = arith.constant 448 : i32
    %dma_wait3A_135 = tpu.memref_slice %arg5[%dma_wait3A_134] : memref<512xi32, #tpu.memory_space<vmem>> -> memref<64xi32, #tpu.memory_space<vmem>>
    %dma_wait3A_136 = arith.constant 0 : i32
    %dma_wait3A_137 = arith.constant 0 : i32
    %dma_wait3A_138 = tpu.memref_slice %arg2[%dma_wait3A_136, %dma_wait3A_137] : memref<1024x256xf32, #tpu.memory_space<hbm>> -> memref<1024x256xf32, #tpu.memory_space<hbm>>
    tpu.wait_indirect_dma semaphore(%arg13 : memref<!tpu.dma_semaphore, #tpu.memory_space<semaphore_mem>>) src(%dma_wait3A_138 : memref<1024x256xf32, #tpu.memory_space<hbm>>) dst(%arg9 : memref<64x256xf32, #tpu.memory_space<vmem>>)
    %add3A_139 = arith.constant 448 : i32
    %add3A_140 = arith.addi %mul3A_2, %add3A_139 : i32
    %dma_start3A_141 = arith.constant 0 : i32
    %dma_start3A_142 = tpu.memref_slice %arg4[%add3A_140, %dma_start3A_141] : memref<16384x256xf32, #tpu.memory_space<hbm>> -> memref<64x256xf32, #tpu.memory_space<hbm>>
    %dma_start3A_143 = arith.constant 0 : i32
    %dma_start3A_144 = tpu.memref_slice %arg4[%add3A_140, %dma_start3A_143] : memref<16384x256xf32, #tpu.memory_space<hbm>> -> memref<64x256xf32, #tpu.memory_space<hbm>>
    tpu.enqueue_dma source(%arg9 : memref<64x256xf32, #tpu.memory_space<vmem>>) target(%dma_start3A_144 : memref<64x256xf32, #tpu.memory_space<hbm>>) target_semaphore(%arg17 : memref<!tpu.dma_semaphore, #tpu.memory_space<semaphore_mem>>)
    %dma_wait3A_145 = arith.constant 0 : i32
    %dma_wait3A_146 = tpu.memref_slice %arg4[%add3A_107, %dma_wait3A_145] : memref<16384x256xf32, #tpu.memory_space<hbm>> -> memref<64x256xf32, #tpu.memory_space<hbm>>
    %dma_wait3A_147 = arith.constant 0 : i32
    %dma_wait3A_148 = tpu.memref_slice %arg4[%add3A_107, %dma_wait3A_147] : memref<16384x256xf32, #tpu.memory_space<hbm>> -> memref<64x256xf32, #tpu.memory_space<hbm>>
    tpu.wait_dma2 semaphore(%arg14 : memref<!tpu.dma_semaphore, #tpu.memory_space<semaphore_mem>>) src(%arg6 : memref<64x256xf32, #tpu.memory_space<vmem>>) dst(%dma_wait3A_148 : memref<64x256xf32, #tpu.memory_space<hbm>>)
    %dma_wait3A_149 = arith.constant 0 : i32
    %dma_wait3A_150 = tpu.memref_slice %arg4[%add3A_118, %dma_wait3A_149] : memref<16384x256xf32, #tpu.memory_space<hbm>> -> memref<64x256xf32, #tpu.memory_space<hbm>>
    %dma_wait3A_151 = arith.constant 0 : i32
    %dma_wait3A_152 = tpu.memref_slice %arg4[%add3A_118, %dma_wait3A_151] : memref<16384x256xf32, #tpu.memory_space<hbm>> -> memref<64x256xf32, #tpu.memory_space<hbm>>
    tpu.wait_dma2 semaphore(%arg15 : memref<!tpu.dma_semaphore, #tpu.memory_space<semaphore_mem>>) src(%arg7 : memref<64x256xf32, #tpu.memory_space<vmem>>) dst(%dma_wait3A_152 : memref<64x256xf32, #tpu.memory_space<hbm>>)
    %dma_wait3A_153 = arith.constant 0 : i32
    %dma_wait3A_154 = tpu.memref_slice %arg4[%add3A_129, %dma_wait3A_153] : memref<16384x256xf32, #tpu.memory_space<hbm>> -> memref<64x256xf32, #tpu.memory_space<hbm>>
    %dma_wait3A_155 = arith.constant 0 : i32
    %dma_wait3A_156 = tpu.memref_slice %arg4[%add3A_129, %dma_wait3A_155] : memref<16384x256xf32, #tpu.memory_space<hbm>> -> memref<64x256xf32, #tpu.memory_space<hbm>>
    tpu.wait_dma2 semaphore(%arg16 : memref<!tpu.dma_semaphore, #tpu.memory_space<semaphore_mem>>) src(%arg8 : memref<64x256xf32, #tpu.memory_space<vmem>>) dst(%dma_wait3A_156 : memref<64x256xf32, #tpu.memory_space<hbm>>)
    %dma_wait3A_157 = arith.constant 0 : i32
    %dma_wait3A_158 = tpu.memref_slice %arg4[%add3A_140, %dma_wait3A_157] : memref<16384x256xf32, #tpu.memory_space<hbm>> -> memref<64x256xf32, #tpu.memory_space<hbm>>
    %dma_wait3A_159 = arith.constant 0 : i32
    %dma_wait3A_160 = tpu.memref_slice %arg4[%add3A_140, %dma_wait3A_159] : memref<16384x256xf32, #tpu.memory_space<hbm>> -> memref<64x256xf32, #tpu.memory_space<hbm>>
    tpu.wait_dma2 semaphore(%arg17 : memref<!tpu.dma_semaphore, #tpu.memory_space<semaphore_mem>>) src(%arg9 : memref<64x256xf32, #tpu.memory_space<vmem>>) dst(%dma_wait3A_160 : memref<64x256xf32, #tpu.memory_space<hbm>>)
    return
  }
}

module attributes {stable_mosaic.version = 14 : i64} {
  func.func @_argmin_body(%arg0: i32, %arg1: memref<2048x256xf32, #tpu.memory_space<vmem>>, %arg2: memref<1024x256xf32, #tpu.memory_space<vmem>>, %arg3: memref<1024x1024xf32, #tpu.memory_space<vmem>>, %arg4: memref<2048x1xi32, #tpu.memory_space<vmem>>, %arg5: memref<1x1024xf32, #tpu.memory_space<vmem>>, %arg6: memref<1x1xf32, #tpu.memory_space<vmem>>, %arg7: memref<1x1xf32, #tpu.memory_space<vmem>>, %arg8: memref<1x1024xf32, #tpu.memory_space<vmem>>, %arg9: memref<1x1xf32, #tpu.memory_space<vmem>>) attributes {dimension_semantics = [#tpu.dimension_semantics<arbitrary>], iteration_bounds = array<i64: 8>, scalar_prefetch = 0 : i64, scratch_operands = 2 : i64, tpu.core_type = #tpu.core_type<tc>, window_params = [{transform_indices = @transform_0, window_bounds = array<i64: 2048, 256>}, {pipeline_mode = #tpu.pipeline_mode<synchronous>, transform_indices = @transform_1, window_bounds = array<i64: 1024, 256>}, {pipeline_mode = #tpu.pipeline_mode<synchronous>, transform_indices = @transform_2, window_bounds = array<i64: 1024, 1024>}, {transform_indices = @transform_3, window_bounds = array<i64: 2048, 1>}, {pipeline_mode = #tpu.pipeline_mode<synchronous>, transform_indices = @transform_4, window_bounds = array<i64: 1, 1024>}, {pipeline_mode = #tpu.pipeline_mode<synchronous>, transform_indices = @transform_5, window_bounds = array<i64: 1, 1>}, {pipeline_mode = #tpu.pipeline_mode<synchronous>, transform_indices = @transform_6, window_bounds = array<i64: 1, 1>}]} {
    %eq3A = arith.constant 0 : i32
    %eq3A_0 = arith.cmpi eq, %arg0, %eq3A : i32
    %convert_element_type3A = arith.extui %eq3A_0 : i1 to i32
    %cond3A = arith.constant 0 : i32
    %cond3A_1 = arith.cmpi ne, %convert_element_type3A, %cond3A : i32
    scf.if %cond3A_1 {
      %get3A_51 = arith.constant 0 : index
      %get3A_52 = arith.constant 0 : index
      %get3A_53 = vector.load %arg2[%get3A_51, %get3A_52] : memref<1024x256xf32, #tpu.memory_space<vmem>>, vector<1024x256xf32>
      %broadcast_in_dim3A_54 = arith.constant 1.000000e+00 : f32
      %broadcast_in_dim3A_55 = vector.broadcast %broadcast_in_dim3A_54 : f32 to vector<1x256xf32>
      %mul3A_56 = arith.mulf %get3A_53, %get3A_53 : vector<1024x256xf32>
      %dot_general3A_57 = arith.constant dense<0.000000e+00> : vector<1x1024xf32>
      %dot_general3A_58 = tpu.matmul %broadcast_in_dim3A_55, %mul3A_56, %dot_general3A_57 {dimension_numbers = #tpu.dot_dimension_numbers<[1], [1], [0], [0], [0, 0, 1, 0], [], []>, precision = #tpu.contract_precision<fp32>, transpose_lhs_hint = false} : vector<1x256xf32>, vector<1024x256xf32>, vector<1x1024xf32> -> vector<1x1024xf32>
      %swap3A_59 = arith.constant 0 : index
      %swap3A_60 = arith.constant 0 : index
      %swap3A_61 = vector.load %arg8[%swap3A_59, %swap3A_60] : memref<1x1024xf32, #tpu.memory_space<vmem>>, vector<1x1024xf32>
      tpu.vector_store %arg8[%swap3A_59, %swap3A_60], %dot_general3A_58 {strides = array<i32>} : memref<1x1024xf32, #tpu.memory_space<vmem>>, vector<1x1024xf32>,
    } else {
    }
    %get3A = arith.constant 0 : index
    %get3A_2 = arith.constant 0 : index
    %get3A_3 = vector.load %arg1[%get3A, %get3A_2] : memref<2048x256xf32, #tpu.memory_space<vmem>>, vector<2048x256xf32>
    %get3A_4 = arith.constant 0 : index
    %get3A_5 = arith.constant 0 : index
    %get3A_6 = vector.load %arg2[%get3A_4, %get3A_5] : memref<1024x256xf32, #tpu.memory_space<vmem>>, vector<1024x256xf32>
    %mul3A = arith.mulf %get3A_3, %get3A_3 : vector<2048x256xf32>
    %reduce_sum3A = arith.constant dense<0.000000e+00> : vector<2048xf32>
    %reduce_sum3A_7 = vector.multi_reduction <add>, %mul3A, %reduce_sum3A [1] : vector<2048x256xf32> to vector<2048xf32>
    %broadcast_in_dim3A = vector.shape_cast %reduce_sum3A_7 : vector<2048xf32> to vector<2048x1xf32>
    %get3A_8 = arith.constant 0 : index
    %get3A_9 = arith.constant 0 : index
    %get3A_10 = vector.load %arg8[%get3A_8, %get3A_9] : memref<1x1024xf32, #tpu.memory_space<vmem>>, vector<1x1024xf32>
    %dot_general3A = arith.constant dense<0.000000e+00> : vector<2048x1024xf32>
    %dot_general3A_11 = tpu.matmul %get3A_3, %get3A_6, %dot_general3A {dimension_numbers = #tpu.dot_dimension_numbers<[1], [1], [0], [0], [0, 0, 1, 0], [], []>, transpose_lhs_hint = false} : vector<2048x256xf32>, vector<1024x256xf32>, vector<2048x1024xf32> -> vector<2048x1024xf32>
    %add3A = vector.broadcast %broadcast_in_dim3A : vector<2048x1xf32> to vector<2048x1024xf32>
    %add3A_12 = vector.broadcast %get3A_10 : vector<1x1024xf32> to vector<2048x1024xf32>
    %add3A_13 = arith.addf %add3A, %add3A_12 : vector<2048x1024xf32>
    %mul3A_14 = arith.constant 2.000000e+00 : f32
    %mul3A_15 = vector.broadcast %mul3A_14 : f32 to vector<2048x1024xf32>
    %mul3A_16 = arith.mulf %mul3A_15, %dot_general3A_11 : vector<2048x1024xf32>
    %sub3A = arith.subf %add3A_13, %mul3A_16 : vector<2048x1024xf32>
    %reduce_min3A = arith.constant dense<0x7F800000> : vector<2048xf32>
    %reduce_min3A_17 = vector.multi_reduction <minimumf>, %sub3A, %reduce_min3A [1] : vector<2048x1024xf32> to vector<2048xf32>
    %broadcast_in_dim3A_18 = vector.shape_cast %reduce_min3A_17 : vector<2048xf32> to vector<2048x1xf32>
    %iota3A = tpu.iota {dimensions = array<i32: 1>} : vector<2048x1024xi32>
    %eq3A_19 = vector.broadcast %broadcast_in_dim3A_18 : vector<2048x1xf32> to vector<2048x1024xf32>
    %eq3A_20 = arith.cmpf oeq, %sub3A, %eq3A_19 : vector<2048x1024xf32>
    %jit3A = arith.constant 1024 : i32
    %broadcast_in_dim3A_21 = vector.broadcast %jit3A : i32 to vector<2048x1024xi32>
    %select_n3A = arith.select %eq3A_20, %iota3A, %broadcast_in_dim3A_21 : vector<2048x1024xi1>, vector<2048x1024xi32>
    %reduce_min3A_22 = arith.constant dense<2147483647> : vector<2048xi32>
    %reduce_min3A_23 = vector.multi_reduction <minsi>, %select_n3A, %reduce_min3A_22 [1] : vector<2048x1024xi32> to vector<2048xi32>
    %broadcast_in_dim3A_24 = vector.shape_cast %reduce_min3A_23 : vector<2048xi32> to vector<2048x1xi32>
    %swap3A = arith.constant 0 : index
    %swap3A_25 = arith.constant 0 : index
    %swap3A_26 = vector.load %arg4[%swap3A, %swap3A_25] : memref<2048x1xi32, #tpu.memory_space<vmem>>, vector<2048x1xi32>
    tpu.vector_store %arg4[%swap3A, %swap3A_25], %broadcast_in_dim3A_24 {strides = array<i32>} : memref<2048x1xi32, #tpu.memory_space<vmem>>, vector<2048x1xi32>,
    %eq3A_27 = vector.broadcast %broadcast_in_dim3A_24 : vector<2048x1xi32> to vector<2048x1024xi32>
    %eq3A_28 = arith.cmpi eq, %iota3A, %eq3A_27 : vector<2048x1024xi32>
    %convert_element_type3A_29 = arith.extui %eq3A_28 : vector<2048x1024xi1> to vector<2048x1024xi32>
    %convert_element_type3A_30 = arith.sitofp %convert_element_type3A_29 : vector<2048x1024xi32> to vector<2048x1024xf32>
    %reduce_sum3A_31 = arith.constant dense<0.000000e+00> : vector<1024xf32>
    %reduce_sum3A_32 = vector.multi_reduction <add>, %convert_element_type3A_30, %reduce_sum3A_31 [0] : vector<2048x1024xf32> to vector<1024xf32>
    %broadcast_in_dim3A_33 = vector.shape_cast %reduce_sum3A_32 : vector<1024xf32> to vector<1x1024xf32>
    %reduce_sum3A_34 = arith.constant dense<0.000000e+00> : vector<1xf32>
    %reduce_sum3A_35 = vector.multi_reduction <add>, %broadcast_in_dim3A_18, %reduce_sum3A_34 [0] : vector<2048x1xf32> to vector<1xf32>
    %broadcast_in_dim3A_36 = vector.shape_cast %reduce_sum3A_35 : vector<1xf32> to vector<1x1xf32>
    %eq3A_37 = arith.constant 0 : i32
    %eq3A_38 = arith.cmpi eq, %arg0, %eq3A_37 : i32
    %convert_element_type3A_39 = arith.extui %eq3A_38 : i1 to i32
    %cond3A_40 = arith.constant 0 : i32
    %cond3A_41 = arith.cmpi ne, %convert_element_type3A_39, %cond3A_40 : i32
    scf.if %cond3A_41 {
      %swap3A_51 = arith.constant 0 : index
      %swap3A_52 = arith.constant 0 : index
      %swap3A_53 = vector.load %arg5[%swap3A_51, %swap3A_52] : memref<1x1024xf32, #tpu.memory_space<vmem>>, vector<1x1024xf32>
      tpu.vector_store %arg5[%swap3A_51, %swap3A_52], %broadcast_in_dim3A_33 {strides = array<i32>} : memref<1x1024xf32, #tpu.memory_space<vmem>>, vector<1x1024xf32>,
      %swap3A_54 = arith.constant 0 : index
      %swap3A_55 = arith.constant 0 : index
      %swap3A_56 = vector.load %arg9[%swap3A_54, %swap3A_55] : memref<1x1xf32, #tpu.memory_space<vmem>>, vector<1x1xf32>
      tpu.vector_store %arg9[%swap3A_54, %swap3A_55], %broadcast_in_dim3A_36 {strides = array<i32>} : memref<1x1xf32, #tpu.memory_space<vmem>>, vector<1x1xf32>,
    } else {
    }
    %ne3A = arith.constant 0 : i32
    %ne3A_42 = arith.cmpi ne, %arg0, %ne3A : i32
    %convert_element_type3A_43 = arith.extui %ne3A_42 : i1 to i32
    %cond3A_44 = arith.constant 0 : i32
    %cond3A_45 = arith.cmpi ne, %convert_element_type3A_43, %cond3A_44 : i32
    scf.if %cond3A_45 {
      %get3A_51 = arith.constant 0 : index
      %get3A_52 = arith.constant 0 : index
      %get3A_53 = vector.load %arg5[%get3A_51, %get3A_52] : memref<1x1024xf32, #tpu.memory_space<vmem>>, vector<1x1024xf32>
      %add3A_54 = arith.addf %get3A_53, %broadcast_in_dim3A_33 : vector<1x1024xf32>
      %swap3A_55 = arith.constant 0 : index
      %swap3A_56 = arith.constant 0 : index
      %swap3A_57 = vector.load %arg5[%swap3A_55, %swap3A_56] : memref<1x1024xf32, #tpu.memory_space<vmem>>, vector<1x1024xf32>
      tpu.vector_store %arg5[%swap3A_55, %swap3A_56], %add3A_54 {strides = array<i32>} : memref<1x1024xf32, #tpu.memory_space<vmem>>, vector<1x1024xf32>,
      %get3A_58 = arith.constant 0 : index
      %get3A_59 = arith.constant 0 : index
      %get3A_60 = vector.load %arg9[%get3A_58, %get3A_59] : memref<1x1xf32, #tpu.memory_space<vmem>>, vector<1x1xf32>
      %add3A_61 = arith.addf %get3A_60, %broadcast_in_dim3A_36 : vector<1x1xf32>
      %swap3A_62 = arith.constant 0 : index
      %swap3A_63 = arith.constant 0 : index
      %swap3A_64 = vector.load %arg9[%swap3A_62, %swap3A_63] : memref<1x1xf32, #tpu.memory_space<vmem>>, vector<1x1xf32>
      tpu.vector_store %arg9[%swap3A_62, %swap3A_63], %add3A_61 {strides = array<i32>} : memref<1x1xf32, #tpu.memory_space<vmem>>, vector<1x1xf32>,
    } else {
    }
    %eq3A_46 = arith.constant 7 : i32
    %eq3A_47 = arith.cmpi eq, %arg0, %eq3A_46 : i32
    %convert_element_type3A_48 = arith.extui %eq3A_47 : i1 to i32
    %cond3A_49 = arith.constant 0 : i32
    %cond3A_50 = arith.cmpi ne, %convert_element_type3A_48, %cond3A_49 : i32
    scf.if %cond3A_50 {
      %get3A_51 = arith.constant 0 : index
      %get3A_52 = arith.constant 0 : index
      %get3A_53 = vector.load %arg3[%get3A_51, %get3A_52] : memref<1024x1024xf32, #tpu.memory_space<vmem>>, vector<1024x1024xf32>
      %get3A_54 = arith.constant 0 : index
      %get3A_55 = arith.constant 0 : index
      %get3A_56 = vector.load %arg5[%get3A_54, %get3A_55] : memref<1x1024xf32, #tpu.memory_space<vmem>>, vector<1x1024xf32>
      %get3A_57 = arith.constant 0 : index
      %get3A_58 = arith.constant 0 : index
      %get3A_59 = vector.load %arg9[%get3A_57, %get3A_58] : memref<1x1xf32, #tpu.memory_space<vmem>>, vector<1x1xf32>
      %mul3A_60 = arith.mulf %get3A_6, %get3A_6 : vector<1024x256xf32>
      %reduce_sum3A_61 = arith.constant dense<0.000000e+00> : vector<1024xf32>
      %reduce_sum3A_62 = vector.multi_reduction <add>, %mul3A_60, %reduce_sum3A_61 [1] : vector<1024x256xf32> to vector<1024xf32>
      %broadcast_in_dim3A_63 = vector.shape_cast %reduce_sum3A_62 : vector<1024xf32> to vector<1024x1xf32>
      %dot_general3A_64 = arith.constant dense<0.000000e+00> : vector<1024x256xf32>
      %dot_general3A_65 = tpu.matmul %get3A_53, %get3A_6, %dot_general3A_64 {dimension_numbers = #tpu.dot_dimension_numbers<[1], [0], [0], [1], [0, 0, 1, 1], [], []>, transpose_lhs_hint = false} : vector<1024x1024xf32>, vector<1024x256xf32>, vector<1024x256xf32> -> vector<1024x256xf32>
      %dot_general3A_66 = arith.constant dense<0.000000e+00> : vector<1024x1xf32>
      %dot_general3A_67 = tpu.matmul %get3A_53, %broadcast_in_dim3A_63, %dot_general3A_66 {dimension_numbers = #tpu.dot_dimension_numbers<[1], [0], [0], [1], [0, 0, 1, 1], [], []>, transpose_lhs_hint = false} : vector<1024x1024xf32>, vector<1024x1xf32>, vector<1024x1xf32> -> vector<1024x1xf32>
      %reduce_sum3A_68 = arith.constant dense<0.000000e+00> : vector<1024xf32>
      %reduce_sum3A_69 = vector.multi_reduction <add>, %get3A_53, %reduce_sum3A_68 [1] : vector<1024x1024xf32> to vector<1024xf32>
      %broadcast_in_dim3A_70 = vector.shape_cast %reduce_sum3A_69 : vector<1024xf32> to vector<1024x1xf32>
      %mul3A_71 = arith.mulf %broadcast_in_dim3A_63, %broadcast_in_dim3A_70 : vector<1024x1xf32>
      %mul3A_72 = arith.mulf %get3A_6, %dot_general3A_65 : vector<1024x256xf32>
      %reduce_sum3A_73 = arith.constant dense<0.000000e+00> : vector<1024xf32>
      %reduce_sum3A_74 = vector.multi_reduction <add>, %mul3A_72, %reduce_sum3A_73 [1] : vector<1024x256xf32> to vector<1024xf32>
      %broadcast_in_dim3A_75 = vector.shape_cast %reduce_sum3A_74 : vector<1024xf32> to vector<1024x1xf32>
      %add3A_76 = arith.addf %dot_general3A_67, %mul3A_71 : vector<1024x1xf32>
      %mul3A_77 = arith.constant 2.000000e+00 : f32
      %mul3A_78 = vector.broadcast %mul3A_77 : f32 to vector<1024x1xf32>
      %mul3A_79 = arith.mulf %mul3A_78, %broadcast_in_dim3A_75 : vector<1024x1xf32>
      %sub3A_80 = arith.subf %add3A_76, %mul3A_79 : vector<1024x1xf32>
      %dot_general3A_81 = arith.constant dense<0.000000e+00> : vector<1x1xf32>
      %dot_general3A_82 = tpu.matmul %get3A_56, %sub3A_80, %dot_general3A_81 {dimension_numbers = #tpu.dot_dimension_numbers<[1], [0], [0], [1], [0, 0, 1, 1], [], []>, transpose_lhs_hint = false} : vector<1x1024xf32>, vector<1024x1xf32>, vector<1x1xf32> -> vector<1x1xf32>
      %mul3A_83 = arith.constant 2.98023224E-7 : f32
      %mul3A_84 = vector.broadcast %mul3A_83 : f32 to vector<1x1xf32>
      %mul3A_85 = arith.mulf %get3A_59, %mul3A_84 : vector<1x1xf32>
      %mul3A_86 = arith.constant 6.10351563E-5 : f32
      %mul3A_87 = vector.broadcast %mul3A_86 : f32 to vector<1x1xf32>
      %mul3A_88 = arith.mulf %dot_general3A_82, %mul3A_87 : vector<1x1xf32>
      %add3A_89 = arith.addf %mul3A_85, %mul3A_88 : vector<1x1xf32>
      %swap3A_90 = arith.constant 0 : index
      %swap3A_91 = arith.constant 0 : index
      %swap3A_92 = vector.load %arg6[%swap3A_90, %swap3A_91] : memref<1x1xf32, #tpu.memory_space<vmem>>, vector<1x1xf32>
      tpu.vector_store %arg6[%swap3A_90, %swap3A_91], %add3A_89 {strides = array<i32>} : memref<1x1xf32, #tpu.memory_space<vmem>>, vector<1x1xf32>,
      %mul3A_93 = arith.constant 6.10351563E-5 : f32
      %mul3A_94 = vector.broadcast %mul3A_93 : f32 to vector<1x1024xf32>
      %mul3A_95 = arith.mulf %get3A_56, %mul3A_94 : vector<1x1024xf32>
      %add3A_96 = arith.constant 1.000000e-10 : f32
      %add3A_97 = vector.broadcast %add3A_96 : f32 to vector<1x1024xf32>
      %add3A_98 = arith.addf %mul3A_95, %add3A_97 : vector<1x1024xf32>
      %log3A = math.log %add3A_98 : vector<1x1024xf32>
      %mul3A_99 = arith.mulf %mul3A_95, %log3A : vector<1x1024xf32>
      %reduce_sum3A_100 = arith.constant dense<0.000000e+00> : vector<1xf32>
      %reduce_sum3A_101 = vector.multi_reduction <add>, %mul3A_99, %reduce_sum3A_100 [1] : vector<1x1024xf32> to vector<1xf32>
      %broadcast_in_dim3A_102 = vector.shape_cast %reduce_sum3A_101 : vector<1xf32> to vector<1x1xf32>
      %neg3A = arith.constant 0.000000e+00 : f32
      %neg3A_103 = vector.broadcast %neg3A : f32 to vector<1x1xf32>
      %neg3A_104 = arith.subf %neg3A_103, %broadcast_in_dim3A_102 : vector<1x1xf32>
      %exp3A = math.exp %neg3A_104 : vector<1x1xf32>
      %swap3A_105 = arith.constant 0 : index
      %swap3A_106 = arith.constant 0 : index
      %swap3A_107 = vector.load %arg7[%swap3A_105, %swap3A_106] : memref<1x1xf32, #tpu.memory_space<vmem>>, vector<1x1xf32>
      tpu.vector_store %arg7[%swap3A_105, %swap3A_106], %exp3A {strides = array<i32>} : memref<1x1xf32, #tpu.memory_space<vmem>>, vector<1x1xf32>,
    } else {
    }
    return
  }
  func.func @transform_0(%arg0: i32) -> (i32, i32) {
    %c0_i32 = arith.constant 0 : i32
    %c0_i32_0 = arith.constant 0 : i32
    return %arg0, %c0_i32 : i32, i32
  }
  func.func @transform_1(%arg0: i32) -> (i32, i32) {
    %c0_i32 = arith.constant 0 : i32
    %c0_i32_0 = arith.constant 0 : i32
    %c0_i32_1 = arith.constant 0 : i32
    return %c0_i32, %c0_i32_0 : i32, i32
  }
  func.func @transform_2(%arg0: i32) -> (i32, i32) {
    %c0_i32 = arith.constant 0 : i32
    %c0_i32_0 = arith.constant 0 : i32
    %c0_i32_1 = arith.constant 0 : i32
    return %c0_i32, %c0_i32_0 : i32, i32
  }
  func.func @transform_3(%arg0: i32) -> (i32, i32) {
    %c0_i32 = arith.constant 0 : i32
    %c0_i32_0 = arith.constant 0 : i32
    return %arg0, %c0_i32 : i32, i32
  }
  func.func @transform_4(%arg0: i32) -> (i32, i32) {
    %c0_i32 = arith.constant 0 : i32
    %c0_i32_0 = arith.constant 0 : i32
    %c0_i32_1 = arith.constant 0 : i32
    return %c0_i32, %c0_i32_0 : i32, i32
  }
  func.func @transform_5(%arg0: i32) -> (i32, i32) {
    %c0_i32 = arith.constant 0 : i32
    %c0_i32_0 = arith.constant 0 : i32
    %c0_i32_1 = arith.constant 0 : i32
    return %c0_i32, %c0_i32_0 : i32, i32
  }
  func.func @transform_6(%arg0: i32) -> (i32, i32) {
    %c0_i32 = arith.constant 0 : i32
    %c0_i32_0 = arith.constant 0 : i32
    %c0_i32_1 = arith.constant 0 : i32
    return %c0_i32, %c0_i32_0 : i32, i32
  }
}

</mosaic_0001>

<sc_bundles>
// kernel: kernel.4.cloned.1.call-start
scs
__scs_entry_jumppad:
0x0: {  	(pc) =	sbr.rel $0x88, $3  }
0x1: {  	(tag) =	ssettag $0x0;
	lr =	simm.s32 $0x1  }
0x2: {  	[smem:$0x3F9E] =	sst lr;
	_ =	strace $0xD0000000  }
0x3: {  	_ = 	snop  }
0x4: {  	_ = 	snop  }
0x5: {  	_ = 	snop  }
0x6: {  	_ = 	snop  }
0x7: {  	_ = 	snop  }
__scs_overlays_trampoline_lowered:
0x8: {  	[smem:$0x3FAD] =	sst s0  }
0x9: {  	[smem:$0x3FAE] =	sst s1  }
0xa: {  	[smem:$0x3FAF] =	sst s2  }
0xb: {  	[smem:$0x3FB0] =	sst s3  }
0xc: {  	[smem:$0x3FB1] =	sst s4  }
0xd: {  	[smem:$0x3FB2] =	sst s5  }
0xe: {  	[smem:$0x3FB3] =	sst s6  }
0xf: {  	[smem:$0x3FB4] =	sst s7  }
0x10: {  	[smem:$0x3FB5] =	sst s8  }
0x11: {  	[smem:$0x3FB6] =	sst s9;
	s0 =	simm.s32 @!p0 $0x0  }
0x12: {  	s1 =	sld [smem:$0x3F9C];
	s0 =	simm.s32 @p0 $0x1  }
0x13: {  	[smem:$0x3FB7] =	sst s0;
	s0 =	simm.s32 @!p1 $0x0  }
0x14: {  	s2 =	sld [smem:$0x3F9B];
	s0 =	simm.s32 @p1 $0x1  }
0x15: {  	[smem:$0x3FB8] =	sst s0;
	s0 =	simm.s32 @!p2 $0x0  }
0x16: {  	s3 =	sld [smem:$0x3FDB];
	s0 =	simm.s32 @p2 $0x1  }
0x17: {  	s4 =	simm.s32 $0x1BF5;
	[smem:$0x3FBA] =	sst s0  }
0x18: {  	s0 =	sld [smem:$0x3F9D];
	_ =	swait.ge [sflag:s4], $0x0  }
0x19: {  	s7 =	sld [smem:$0x3F9E]  }
0x1a: {  	s8 =	sadd.s32 $0xFFFFE003, lr  }
0x1b: {  	s9 =	sadd.s32 $0xFFFFFEF7, lr;
	s5 =	simm.s32 $0xFFFFFFFF;
	p2 =	slt.u32 s8, $0xFFFFF086  }
0x1c: {  	p1 =	slt.u32 s9, $0xF7A;
	s5 =	simm.s32 @!p2 $0x0  }
0x1d: {  	s5 =	simm.s32 @p1 $0x1;
	p0 =	seq.s32 s7, s2  }
0x1e: {  	s7 =	smul.u32 @!p0 $0xF7A, s2;
	p2 =	seq.s32 @!p0 s5, $0x0  }
0x1f: {  	s9 =	smul.u32 $0xF7A, s1;
	s8 =	simm.s32 @!p0 $0x1BF5;
	p2 =	por !p2, p0  }
0x20: {  	[sflag:s8] =	ssyncset.s32 @!p0 $0xFFFFF086;
	s6 =	sadd.s32 @!p0 s3, s7;
	s7 =	simm.s32 @!p0 $0x108  }
0x21: {  	s3 =	sadd.s32 s3, s9;
	s6 =	sadd.s32 @!p0 $0x88, s6;
	s7 =	simm.s32 @p2 $0x1082  }
0x22: {  	[simem:s7], [sflag:s8] =	dma.local @!p0 [hbm:s6], $0xF7A  }
0x23: {  	s9 =	sor.u32 $0xD0000000, s2;
	s6 =	simm.s32 $0x108;
	_ =	swait.ge @!p0 [sflag:s8], $0x0  }
0x24: {  	s3 =	sadd.s32 $0x88, s3;
	s6 =	simm.s32 @!p1 $0x1082;
	[sflag:s4] =	ssyncset.s32 $0xFFFFF086  }
0x25: {  	[simem:s6], [sflag:s4] =	dma.local [hbm:s3], $0xF7A  }
0x26: {  	[smem:$0x3F9E] =	sst s1;
	(tag) =	ssettag s2;
	_ =	strace s9  }
0x27: {  	s1 =	sld [smem:$0x3FAE]  }
0x28: {  	s2 =	sld [smem:$0x3FAF]  }
0x29: {  	s4 =	sld [smem:$0x3FB1]  }
0x2a: {  	p0 =	seq.s32 s5, $0x0;
	s5 =	sld [smem:$0x3FB2]  }
0x2b: {  	s6 =	sld [smem:$0x3FB3]  }
0x2c: {  	s7 =	sld [smem:$0x3FB4]  }
0x2d: {  	s3 =	simm.s32 $0x108;
	s8 =	sld [smem:$0x3FB5]  }
0x2e: {  	s3 =	simm.s32 @!p0 $0x1082;
	s9 =	sld [smem:$0x3FB6]  }
0x2f: {  	lr =	sadd.s32 s0, s3;
	s0 =	sld [smem:$0x3FAD]  }
0x30: {  	s3 =	sld [smem:$0x3FB0]  }
0x31: {  	[smem:$0x3FB9] =	sst s10  }
0x32: {  	s10 =	sld [smem:$0x3FB7];
	_ =	sdelay $0x3  }
0x33: {  	p0 =	seq.s32 s10, $0x1;
	s10 =	sld [smem:$0x3FB9];
	_ =	sdelay $0x3  }
0x34: {  	[smem:$0x3FB9] =	sst s10  }
0x35: {  	s10 =	sld [smem:$0x3FB8];
	_ =	sdelay $0x3  }
0x36: {  	p1 =	seq.s32 s10, $0x1;
	s10 =	sld [smem:$0x3FB9];
	_ =	sdelay $0x3  }
0x37: {  	[smem:$0x3FB9] =	sst s10  }
0x38: {  	s10 =	sld [smem:$0x3FBA]  }
0x39: {  	_ = 	snop;
	(pc) =	sbr.ind lr, $3  }
0x3a: {  	_ = 	snop  }
0x3b: {  	_ = 	snop  }
0x3c: {  	p2 =	seq.s32 s10, $0x1;
	s10 =	sld [smem:$0x3FB9]  }
0x3d: {  	_ =	shalt  }
0x3e: {  	_ =	shalt  }
0x3f: {  	_ =	shalt  }
0x40: {  	_ =	shalt  }
0x41: {  	_ =	shalt  }
0x42: {  	_ =	shalt  }
0x43: {  	_ =	shalt  }
0x44: {  	_ =	shalt  }
0x45: {  	_ =	shalt  }
0x46: {  	_ =	shalt  }
0x47: {  	_ =	shalt  }
0x48: {  	_ =	shalt  }
0x49: {  	_ =	shalt  }
0x4a: {  	_ =	shalt  }
0x4b: {  	_ =	shalt  }
0x4c: {  	_ =	shalt  }
0x4d: {  	_ =	shalt  }
0x4e: {  	_ =	shalt  }
0x4f: {  	_ =	shalt  }
0x50: {  	_ =	shalt  }
0x51: {  	_ =	shalt  }
0x52: {  	_ =	shalt  }
0x53: {  	_ =	shalt  }
0x54: {  	_ =	shalt  }
0x55: {  	_ =	shalt  }
0x56: {  	_ =	shalt  }
0x57: {  	_ =	shalt  }
0x58: {  	_ =	shalt  }
0x59: {  	_ =	shalt  }
0x5a: {  	_ =	shalt  }
0x5b: {  	_ =	shalt  }
0x5c: {  	_ =	shalt  }
0x5d: {  	_ =	shalt  }
0x5e: {  	_ =	shalt  }
0x5f: {  	_ =	shalt  }
0x60: {  	_ =	shalt  }
0x61: {  	_ =	shalt  }
0x62: {  	_ =	shalt  }
0x63: {  	_ =	shalt  }
0x64: {  	_ =	shalt  }
0x65: {  	_ =	shalt  }
0x66: {  	_ =	shalt  }
0x67: {  	_ =	shalt  }
0x68: {  	_ =	shalt  }
0x69: {  	_ =	shalt  }
0x6a: {  	_ =	shalt  }
0x6b: {  	_ =	shalt  }
0x6c: {  	_ =	shalt  }
0x6d: {  	_ =	shalt  }
0x6e: {  	_ =	shalt  }
0x6f: {  	_ =	shalt  }
0x70: {  	_ =	shalt  }
0x71: {  	_ =	shalt  }
0x72: {  	_ =	shalt  }
0x73: {  	_ =	shalt  }
0x74: {  	_ =	shalt  }
0x75: {  	_ =	shalt  }
0x76: {  	_ =	shalt  }
0x77: {  	_ =	shalt  }
0x78: {  	_ =	shalt  }
0x79: {  	_ =	shalt  }
0x7a: {  	_ =	shalt  }
0x7b: {  	_ =	shalt  }
0x7c: {  	_ =	shalt  }
0x7d: {  	_ =	shalt  }
0x7e: {  	_ =	shalt  }
0x7f: {  	_ =	shalt  }
0x80: {  	_ =	shalt  }
0x81: {  	_ =	shalt  }
0x82: {  	_ =	shalt  }
0x83: {  	_ =	shalt  }
0x84: {  	_ =	shalt  }
0x85: {  	_ =	shalt  }
0x86: {  	_ =	shalt  }
0x87: {  	_ =	shalt  }
.Lfunc_end0:
.L_simem_size_0:
called_computation_lowered:
.L_overlay_start_0:
0x88: {  	s2 =	sld [smem:$0x3FD9]  }
0x89: {  	s3 =	sld [smem:$0x3FFE];
	_ =	sdelay $0x1  }
0x8a: {  	s1 =	srdreg.scid  }
0x8b: {  	s0 =	sand.u32 $0x1, s1  }
0x8c: {  	s14 =	sshll.u32 s0, $0xA;
	s2 =	sadd.s32 s3, s2  }
0x8d: {  	s2 =	sadd.s32 s2, s14  }
0x8e: {  	[smem:$0x3FC5] =	sst s2  }
0x8f: {  	_ = 	snop  }
0x90: {  	s2 =	sld [smem:$0x3FD0];
	_ =	sdelay $0x2  }
0x91: {  	s4 =	simm.s32 $0xA;
	s5 =	simm.s32 $0x10;
	s15 =	sld [smem:$0x3FC8]  }
0x92: {  	[smem:s5], [sflag:s4] =	dma.local [hbm:s2], $0x1  }
0x93: {  	_ =	swait.eq [sflag:s4], $0x1  }
0x94: {  	[sflag:s4] =	ssyncset.done $0x0  }
0x95: {  	[sflag:s4] =	ssyncadd.s32 $0xFFFFFFFF  }
0x96: {  	s16 =	sld [smem:$0x11];
	(tm) =	ssettm $0x1  }
0x97: {  	s17 =	sld [smem:$0x3FFB];
	_ =	sdelay $0x3  }
0x98: {  	_ =	strace s17  }
0x99: {  	s4 =	sld [smem:$0x3FFC];
	_ =	sdelay $0x3  }
0x9a: {  	_ =	strace s4  }
0x9b: {  	s4 =	sld [smem:$0x3FFD];
	_ =	sdelay $0x3  }
0x9c: {  	_ =	strace s4  }
0x9d: {  	_ =	strace $0x8FFFFFFF  }
0x9e: {  	s18 =	sld [smem:$0x3FDB];
	_ =	sdelay $0x1  }
0x9f: {  	s19 =	simm.s32 $_scs_section_size  }
0xa0: {  	s6 =	simm.s32 $_size__tile_overlayer_lowered;
	s7 =	simm.s32 $_tile_overlayer_lowered  }
0xa1: {  	s22 =	simm.s32 $0x1BFF;
	s21 =	sshll.u32 s7, $0x1;
	s4 =	sadd.s32 s19, s18  }
0xa2: {  	s8 =	simm.s32 $0x0;
	s20 =	sshll.u32 s6, $0x1;
	s6 =	sadd.s32 s21, s4  }
0xa3: {  	[timem:s8], [sflag:s22] =	dma.local [hbm:s6], s20  }
0xa4: {  	_ =	swait.ge [sflag:s22], s20  }
0xa5: {  	s5 =	ssub.s32 $0x0, s20;
	[sflag:s22] =	ssyncset.done $0x0  }
0xa6: {  	[sflag:s22] =	ssyncadd.s32 s5;
	_ =	sdelay $0x1  }
0xa7: {  	s23 =	simm.s32 $0x1B8B  }
0xa8: {  	_ =	swait.ge [sflag:s23], $0x1  }
0xa9: {  	[sflag:s23] =	ssyncset.done $0x0  }
0xaa: {  	s25 =	simm.s32 $0x1B8E;
	s24 =	sld [smem:$0x3FFE];
	[sflag:s23] =	ssyncadd.s32 $0xFFFFFFFF  }
0xab: {  	s26 =	simm.s32 $execute0_lowered;
	[smem:$0x3FD2] =	sst s25  }
0xac: {  	s6 =	sshll.u32 s26, $0x1;
	_ =	strace $0x80000046;
	[dreg:$0x1] =	wrdreg $0xFFFFFFFF  }
0xad: {  	s28 =	simm.s32 $_size_execute0_lowered;
	s4 =	sadd.s32 s4, s6;
	[dreg:$0x0] =	wrdreg $0x0  }
0xae: {  	s6 =	sshll.u32 s28, $0x1;
	[dreg:$0x2] =	wrdreg s4  }
0xaf: {  	[dreg:$0x3] =	wrdreg s6  }
0xb0: {  	[dreg:$0x4] =	wrdreg $0xC0  }
0xb1: {  	_ =	task [dreg:s8], $0x5FFFF  }
0xb2: {  	[dreg:$0x1] =	wrdreg $0xFFFFFFFF  }
0xb3: {  	[dreg:$0x0] =	wrdreg $0x60  }
0xb4: {  	[dreg:$0x2] =	wrdreg s15  }
0xb5: {  	[dreg:$0x3] =	wrdreg s24  }
0xb6: {  	[dreg:$0x4] =	wrdreg s16  }
0xb7: {  	[dreg:$0x5] =	wrdreg $0x9  }
0xb8: {  	_ =	task.clear_ibuf [dreg:s8], $0x6FFFF;
	_ =	strace $0x90000046  }
0xb9: {  	s29 =	simm.s32 $0x9;
	_ =	strace $0x80000048  }
0xba: {  	_ =	swait.ge [sflag:s29], $0x1  }
0xbb: {  	[sflag:s29] =	ssyncadd.s32 $0xFFFFFFFF  }
0xbc: {  	_ =	strace $0x90000048  }
0xbd: {  	_ =	sfence  }
0xbe: {  	s30 =	sld [smem:$0x0];
	_ =	sdelay $0x2  }
0xbf: {  	s31 =	sshll.u32 s1, $0xD;
	s1 =	sshrl.u32 s1, $0x2  }
0xc0: {  	s3 =	sand.u32 $0x4000, s31;
	s1 =	sadd.s32 s1, s30  }
0xc1: {  	s0 =	sor.u32 s3, s0;
	s1 =	sshll.u32 s1, $0x11  }
0xc2: {  	s0 =	sor.u32 s1, s0  }
0xc3: {  	s0 =	sadd.s32 $0x8F2B, s0  }
0xc4: {  	[sflag:s0] =	ssyncadd.remote.s32 $0x1  }
0xc5: {  	_ =	sfence.sel $0xFFFF  }
0xc6: {  	[dreg:$0x0] =	wrdreg $0xFFFFFFFF;
	(pc) =	sbr.abs _section_cstart, $3  }
0xc7: {  	[dreg:$0x1] =	wrdreg $0xFFFFFFFF  }
0xc8: {  	_ =	task.clear_ibuf [dreg:s8], $0x2FFFF;
	_ =	strace $0x9FFFFFFF  }
0xc9: {  	(tm) =	ssettm $0x7FFFFFFF  }
tec
execute0_lowered:
.L_overlay_start_1:
0x0: {  	(tag) =	ssettag $0x1  }
0x1: {  	s1 =	rddreg [dreg:$0x0]  }
0x2: {  	s0 =	srdreg.scid;
	s2 =	rddreg [dreg:$0x1]  }
0x3: {  	s3 =	stileid.u32;
	s5 =	rddreg [dreg:$0x2]  }
0x4: {  	s28 =	simm.s32 $0x2200;
	s29 =	simm.s32 $0x2A00;
	s30 =	simm.s32 $0x3200  }
0x5: {  	s31 =	simm.s32 $0x3A00;
	s9 =	simm.s32 $0x5A00;
	s10 =	simm.s32 $0x6200  }
0x6: {  	s11 =	simm.s32 $0x6A00;
	s12 =	simm.s32 $0x7200;
	s0 =	sand.u32 $0x1, s0  }
0x7: {  	s13 =	simm.s32 $0x7A00;
	s3 =	sshll.u32 s3, $0xA;
	s4 =	sshll.u32 s0, $0x9  }
0x8: {  	s14 =	simm.s32 $0x9A00;
	s15 =	simm.s32 $0xA200;
	s4 =	sor.u32 s4, s3  }
0x9: {  	s3 =	simm.s32 $0x0;
	s6 =	sshrl.u32 s4, $0x3;
	s4 =	sshll.u32 s4, $0x5  }
0xa: {  	[smem:$0x7FF] =	sst s3;
	s2 =	sadd.s32 s6, s2;
	s4 =	sadd.s32 s5, s4  }
0xb: {  	_ =	strace $0x80000047;
	s2 =	sadd.s32 $0x600, s2;
	[dreg:$0xc] =	wrdreg s4  }
0xc: {  	s16 =	simm.s32 $0xAA00;
	s19 =	sadd.s32 $0x800, s4;
	[dreg:$0x4] =	wrdreg s2  }
0xd: {  	s17 =	simm.s32 $0xB200;
	s20 =	sadd.s32 $0x1000, s4;
	[dreg:$0x5] =	wrdreg s19  }
0xe: {  	s18 =	simm.s32 $0xBA00;
	s21 =	sadd.s32 $0x1800, s4;
	[dreg:$0x6] =	wrdreg s20  }
0xf: {  	s0 =	ssub.s32 $0x2, s0;
	s22 =	sadd.s32 $0x2000, s4;
	[dreg:$0x7] =	wrdreg s21  }
0x10: {  	s25 =	sshrl.u32 s0, $0x1;
	s23 =	sadd.s32 $0x2800, s4;
	[dreg:$0x8] =	wrdreg s22  }
0x11: {  	s0 =	ssub.s32 s0, s25;
	s24 =	sadd.s32 $0x3000, s4;
	[dreg:$0x9] =	wrdreg s23  }
0x12: {  	v2 =	vlaneseq.u32;
	s5 =	smax.u32 s0, $0x1;
	s26 =	sadd.s32 $0x3800, s4;
	[dreg:$0xa] =	wrdreg s24  }
0x13: {  	vm0 =	vmmov $0xffff;
	v1 =	vshrl.u32 v2, $0x3;
	[dreg:$0xb] =	wrdreg s26;
	s22 =	simm.s32 $0x8;
	s23 =	simm.s32 $0x4200  }
0x14: {  	v0 =	vand.u32 $0x7, v2;
	v2 =	vor.u32 $0x8, v2;
	v1 =	vmul.u32 $0x8, v1;
	s2 =	simm.s32 $0x8200;
	s19 =	simm.s32 $0xC200;
	s20 =	simm.s32 $0x1  }
.LBB2_1:
0x15: {  	s24 =	rddreg [dreg:$0x4];
	s0 =	simm.s32 $0x9  }
0x16: {  	[tilespmem:s3], [sflag:$0x9] =	stream.linear.gather [hbm4b:s24+s3], $0x200, $0x38;
	[tilespmem:$0x10200] =	vst v63  }
0x17: {  	_ =	swait.ge [sflag:s0], $0x200  }
0x18: {  	[sflag:s0] =	ssyncset.done $0x0  }
0x19: {  	[sflag:s0] =	ssyncadd.s32 $0xFFFFFE00  }
0x1a: {  	v3 =	vld [tilespmem:$0x0];
	_ =	sdelay $0x4  }
0x1b: {  	v4 =	vshll.u32 v3, $0x1  }
0x1c: {  	v3 =	vand.u32 $0x7, v3;
	v4 =	vand.u32 $0xFFFFFFF0, v4  }
0x1d: {  	v3 =	vor.u32 v3, v4  }
0x1e: {  	v4 =	vperm.xlane v3, v0;
	_ =	sdelay $0x1  }
0x1f: {  	v3 =	vperm.xlane v3, v2;
	v4 =	vadd.s32 v1, v4;
	_ =	sdelay $0x1  }
0x20: {  	v3 =	vadd.s32 v1, v3;
	_ =	sdelay $0x1  }
0x21: {  	s8 =	simm.s32 $0x200  }
0x22: {  	[tilespmem:s8], [sflag:$0x1] =	stream.indirect_vreg.gather [hbm4b:s1+s3], $0x80, v4, vm0, $0xb8;
	[tilespmem:$0x10200] =	vst v63  }
0x23: {  	s24 =	simm.s32 $0xA00  }
0x24: {  	[tilespmem:s24], [sflag:$0x1] =	stream.indirect_vreg.gather [hbm4b:s1+s3], $0x80, v3, vm0, $0xb8;
	[tilespmem:$0x10200] =	vst v63  }
0x25: {  	v3 =	vld [tilespmem:$0x10];
	_ =	sdelay $0x4  }
0x26: {  	v33 =	vshll.u32 v3, $0x1  }
0x27: {  	v3 =	vand.u32 $0x7, v3;
	v4 =	vand.u32 $0xFFFFFFF0, v33  }
0x28: {  	v3 =	vor.u32 v3, v4  }
0x29: {  	v4 =	vperm.xlane v3, v0;
	_ =	sdelay $0x1  }
0x2a: {  	v3 =	vperm.xlane v3, v2;
	v4 =	vadd.s32 v1, v4;
	_ =	sdelay $0x1  }
0x2b: {  	v3 =	vadd.s32 v1, v3;
	_ =	sdelay $0x1  }
0x2c: {  	s25 =	simm.s32 $0x1200  }
0x2d: {  	[tilespmem:s25], [sflag:$0x1] =	stream.indirect_vreg.gather [hbm4b:s1+s3], $0x80, v4, vm0, $0xb8;
	[tilespmem:$0x10200] =	vst v63  }
0x2e: {  	s26 =	simm.s32 $0x1A00  }
0x2f: {  	[tilespmem:s26], [sflag:$0x1] =	stream.indirect_vreg.gather [hbm4b:s1+s3], $0x80, v3, vm0, $0xb8;
	[tilespmem:$0x10200] =	vst v63  }
0x30: {  	v3 =	vld [tilespmem:$0x20];
	_ =	sdelay $0x4  }
0x31: {  	v34 =	vshll.u32 v3, $0x1  }
0x32: {  	v3 =	vand.u32 $0x7, v3;
	v4 =	vand.u32 $0xFFFFFFF0, v34  }
0x33: {  	v3 =	vor.u32 v3, v4  }
0x34: {  	v4 =	vperm.xlane v3, v0;
	_ =	sdelay $0x1  }
0x35: {  	v3 =	vperm.xlane v3, v2;
	v4 =	vadd.s32 v1, v4;
	_ =	sdelay $0x1  }
0x36: {  	v3 =	vadd.s32 v1, v3;
	_ =	sdelay $0x2  }
0x37: {  	[tilespmem:s28], [sflag:$0x1] =	stream.indirect_vreg.gather [hbm4b:s1+s3], $0x80, v4, vm0, $0xb8;
	[tilespmem:$0x10200] =	vst v63  }
0x38: {  	_ = 	snop  }
0x39: {  	[tilespmem:s29], [sflag:$0x1] =	stream.indirect_vreg.gather [hbm4b:s1+s3], $0x80, v3, vm0, $0xb8;
	[tilespmem:$0x10200] =	vst v63  }
0x3a: {  	v3 =	vld [tilespmem:$0x30];
	_ =	sdelay $0x4  }
0x3b: {  	v35 =	vshll.u32 v3, $0x1  }
0x3c: {  	v3 =	vand.u32 $0x7, v3;
	v4 =	vand.u32 $0xFFFFFFF0, v35  }
0x3d: {  	v3 =	vor.u32 v3, v4  }
0x3e: {  	v4 =	vperm.xlane v3, v0;
	_ =	sdelay $0x1  }
0x3f: {  	v3 =	vperm.xlane v3, v2;
	v4 =	vadd.s32 v1, v4;
	_ =	sdelay $0x1  }
0x40: {  	v3 =	vadd.s32 v1, v3;
	_ =	sdelay $0x2  }
0x41: {  	[tilespmem:s30], [sflag:$0x1] =	stream.indirect_vreg.gather [hbm4b:s1+s3], $0x80, v4, vm0, $0xb8;
	[tilespmem:$0x10200] =	vst v63  }
0x42: {  	_ = 	snop  }
0x43: {  	[tilespmem:s31], [sflag:$0x1] =	stream.indirect_vreg.gather [hbm4b:s1+s3], $0x80, v3, vm0, $0xb8;
	[tilespmem:$0x10200] =	vst v63  }
0x44: {  	v3 =	vld [tilespmem:$0x40];
	_ =	sdelay $0x4  }
0x45: {  	v36 =	vshll.u32 v3, $0x1  }
0x46: {  	v3 =	vand.u32 $0x7, v3;
	v4 =	vand.u32 $0xFFFFFFF0, v36  }
0x47: {  	v3 =	vor.u32 v3, v4  }
0x48: {  	v4 =	vperm.xlane v3, v0;
	_ =	sdelay $0x1  }
0x49: {  	v3 =	vperm.xlane v3, v2;
	v4 =	vadd.s32 v1, v4;
	_ =	sdelay $0x1  }
0x4a: {  	v3 =	vadd.s32 v1, v3;
	_ =	sdelay $0x2  }
0x4b: {  	[tilespmem:s23], [sflag:$0x2] =	stream.indirect_vreg.gather [hbm4b:s1+s3], $0x80, v4, vm0, $0xb8;
	[tilespmem:$0x10200] =	vst v63  }
0x4c: {  	s0 =	simm.s32 $0x4A00  }
0x4d: {  	[tilespmem:s0], [sflag:$0x2] =	stream.indirect_vreg.gather [hbm4b:s1+s3], $0x80, v3, vm0, $0xb8;
	[tilespmem:$0x10200] =	vst v63  }
0x4e: {  	v3 =	vld [tilespmem:$0x50];
	_ =	sdelay $0x4  }
0x4f: {  	v37 =	vshll.u32 v3, $0x1  }
0x50: {  	v3 =	vand.u32 $0x7, v3;
	v4 =	vand.u32 $0xFFFFFFF0, v37  }
0x51: {  	v3 =	vor.u32 v3, v4  }
0x52: {  	v4 =	vperm.xlane v3, v0;
	_ =	sdelay $0x1  }
0x53: {  	v3 =	vperm.xlane v3, v2;
	v4 =	vadd.s32 v1, v4;
	_ =	sdelay $0x1  }
0x54: {  	v3 =	vadd.s32 v1, v3;
	_ =	sdelay $0x1  }
0x55: {  	s8 =	simm.s32 $0x5200  }
0x56: {  	[tilespmem:s8], [sflag:$0x2] =	stream.indirect_vreg.gather [hbm4b:s1+s3], $0x80, v4, vm0, $0xb8;
	[tilespmem:$0x10200] =	vst v63  }
0x57: {  	_ = 	snop  }
0x58: {  	[tilespmem:s9], [sflag:$0x2] =	stream.indirect_vreg.gather [hbm4b:s1+s3], $0x80, v3, vm0, $0xb8;
	[tilespmem:$0x10200] =	vst v63  }
0x59: {  	v3 =	vld [tilespmem:$0x60];
	_ =	sdelay $0x4  }
0x5a: {  	v38 =	vshll.u32 v3, $0x1  }
0x5b: {  	v3 =	vand.u32 $0x7, v3;
	v4 =	vand.u32 $0xFFFFFFF0, v38  }
0x5c: {  	v3 =	vor.u32 v3, v4  }
0x5d: {  	v4 =	vperm.xlane v3, v0;
	_ =	sdelay $0x1  }
0x5e: {  	v3 =	vperm.xlane v3, v2;
	v4 =	vadd.s32 v1, v4;
	_ =	sdelay $0x1  }
0x5f: {  	v3 =	vadd.s32 v1, v3;
	_ =	sdelay $0x2  }
0x60: {  	[tilespmem:s10], [sflag:$0x2] =	stream.indirect_vreg.gather [hbm4b:s1+s3], $0x80, v4, vm0, $0xb8;
	[tilespmem:$0x10200] =	vst v63  }
0x61: {  	_ = 	snop  }
0x62: {  	[tilespmem:s11], [sflag:$0x2] =	stream.indirect_vreg.gather [hbm4b:s1+s3], $0x80, v3, vm0, $0xb8;
	[tilespmem:$0x10200] =	vst v63  }
0x63: {  	v3 =	vld [tilespmem:$0x70];
	_ =	sdelay $0x4  }
0x64: {  	v39 =	vshll.u32 v3, $0x1  }
0x65: {  	v3 =	vand.u32 $0x7, v3;
	v4 =	vand.u32 $0xFFFFFFF0, v39  }
0x66: {  	v3 =	vor.u32 v3, v4  }
0x67: {  	v4 =	vperm.xlane v3, v0;
	_ =	sdelay $0x1  }
0x68: {  	v3 =	vperm.xlane v3, v2;
	v4 =	vadd.s32 v1, v4;
	_ =	sdelay $0x1  }
0x69: {  	v3 =	vadd.s32 v1, v3;
	_ =	sdelay $0x2  }
0x6a: {  	[tilespmem:s12], [sflag:$0x2] =	stream.indirect_vreg.gather [hbm4b:s1+s3], $0x80, v4, vm0, $0xb8;
	[tilespmem:$0x10200] =	vst v63  }
0x6b: {  	_ = 	snop  }
0x6c: {  	[tilespmem:s13], [sflag:$0x2] =	stream.indirect_vreg.gather [hbm4b:s1+s3], $0x80, v3, vm0, $0xb8;
	[tilespmem:$0x10200] =	vst v63  }
0x6d: {  	v3 =	vld [tilespmem:$0x80];
	_ =	sdelay $0x4  }
0x6e: {  	v40 =	vshll.u32 v3, $0x1  }
0x6f: {  	v3 =	vand.u32 $0x7, v3;
	v4 =	vand.u32 $0xFFFFFFF0, v40  }
0x70: {  	v3 =	vor.u32 v3, v4  }
0x71: {  	v4 =	vperm.xlane v3, v0;
	_ =	sdelay $0x1  }
0x72: {  	v3 =	vperm.xlane v3, v2;
	v4 =	vadd.s32 v1, v4;
	_ =	sdelay $0x1  }
0x73: {  	v3 =	vadd.s32 v1, v3;
	_ =	sdelay $0x2  }
0x74: {  	[tilespmem:s2], [sflag:$0x3] =	stream.indirect_vreg.gather [hbm4b:s1+s3], $0x80, v4, vm0, $0xb8;
	[tilespmem:$0x10200] =	vst v63  }
0x75: {  	s4 =	simm.s32 $0x8A00  }
0x76: {  	[tilespmem:s4], [sflag:$0x3] =	stream.indirect_vreg.gather [hbm4b:s1+s3], $0x80, v3, vm0, $0xb8;
	[tilespmem:$0x10200] =	vst v63  }
0x77: {  	v3 =	vld [tilespmem:$0x90];
	_ =	sdelay $0x4  }
0x78: {  	v41 =	vshll.u32 v3, $0x1  }
0x79: {  	v3 =	vand.u32 $0x7, v3;
	v4 =	vand.u32 $0xFFFFFFF0, v41  }
0x7a: {  	v3 =	vor.u32 v3, v4  }
0x7b: {  	v4 =	vperm.xlane v3, v0;
	_ =	sdelay $0x1  }
0x7c: {  	v3 =	vperm.xlane v3, v2;
	v4 =	vadd.s32 v1, v4;
	_ =	sdelay $0x1  }
0x7d: {  	v3 =	vadd.s32 v1, v3;
	_ =	sdelay $0x1  }
0x7e: {  	s7 =	simm.s32 $0x9200  }
0x7f: {  	[tilespmem:s7], [sflag:$0x3] =	stream.indirect_vreg.gather [hbm4b:s1+s3], $0x80, v4, vm0, $0xb8;
	[tilespmem:$0x10200] =	vst v63  }
0x80: {  	_ = 	snop  }
0x81: {  	[tilespmem:s14], [sflag:$0x3] =	stream.indirect_vreg.gather [hbm4b:s1+s3], $0x80, v3, vm0, $0xb8;
	[tilespmem:$0x10200] =	vst v63  }
0x82: {  	v3 =	vld [tilespmem:$0xA0];
	_ =	sdelay $0x4  }
0x83: {  	v42 =	vshll.u32 v3, $0x1  }
0x84: {  	v3 =	vand.u32 $0x7, v3;
	v4 =	vand.u32 $0xFFFFFFF0, v42  }
0x85: {  	v3 =	vor.u32 v3, v4  }
0x86: {  	v4 =	vperm.xlane v3, v0;
	_ =	sdelay $0x1  }
0x87: {  	v3 =	vperm.xlane v3, v2;
	v4 =	vadd.s32 v1, v4;
	_ =	sdelay $0x1  }
0x88: {  	v3 =	vadd.s32 v1, v3;
	_ =	sdelay $0x2  }
0x89: {  	[tilespmem:s15], [sflag:$0x3] =	stream.indirect_vreg.gather [hbm4b:s1+s3], $0x80, v4, vm0, $0xb8;
	[tilespmem:$0x10200] =	vst v63  }
0x8a: {  	_ = 	snop  }
0x8b: {  	[tilespmem:s16], [sflag:$0x3] =	stream.indirect_vreg.gather [hbm4b:s1+s3], $0x80, v3, vm0, $0xb8;
	[tilespmem:$0x10200] =	vst v63  }
0x8c: {  	v3 =	vld [tilespmem:$0xB0];
	_ =	sdelay $0x4  }
0x8d: {  	v43 =	vshll.u32 v3, $0x1  }
0x8e: {  	v3 =	vand.u32 $0x7, v3;
	v4 =	vand.u32 $0xFFFFFFF0, v43  }
0x8f: {  	v3 =	vor.u32 v3, v4  }
0x90: {  	v4 =	vperm.xlane v3, v0;
	_ =	sdelay $0x1  }
0x91: {  	v3 =	vperm.xlane v3, v2;
	v4 =	vadd.s32 v1, v4;
	_ =	sdelay $0x1  }
0x92: {  	v3 =	vadd.s32 v1, v3;
	_ =	sdelay $0x2  }
0x93: {  	[tilespmem:s17], [sflag:$0x3] =	stream.indirect_vreg.gather [hbm4b:s1+s3], $0x80, v4, vm0, $0xb8;
	[tilespmem:$0x10200] =	vst v63  }
0x94: {  	_ = 	snop  }
0x95: {  	[tilespmem:s18], [sflag:$0x3] =	stream.indirect_vreg.gather [hbm4b:s1+s3], $0x80, v3, vm0, $0xb8;
	[tilespmem:$0x10200] =	vst v63  }
0x96: {  	v3 =	vld [tilespmem:$0xC0];
	_ =	sdelay $0x4  }
0x97: {  	v44 =	vshll.u32 v3, $0x1  }
0x98: {  	v3 =	vand.u32 $0x7, v3;
	v4 =	vand.u32 $0xFFFFFFF0, v44  }
0x99: {  	v3 =	vor.u32 v3, v4  }
0x9a: {  	v4 =	vperm.xlane v3, v0;
	_ =	sdelay $0x1  }
0x9b: {  	v3 =	vperm.xlane v3, v2;
	v4 =	vadd.s32 v1, v4;
	_ =	sdelay $0x1  }
0x9c: {  	v3 =	vadd.s32 v1, v3;
	_ =	sdelay $0x2  }
0x9d: {  	[tilespmem:s19], [sflag:$0x4] =	stream.indirect_vreg.gather [hbm4b:s1+s3], $0x80, v4, vm0, $0xb8;
	[tilespmem:$0x10200] =	vst v63  }
0x9e: {  	s6 =	simm.s32 $0xCA00  }
0x9f: {  	[tilespmem:s6], [sflag:$0x4] =	stream.indirect_vreg.gather [hbm4b:s1+s3], $0x80, v3, vm0, $0xb8;
	[tilespmem:$0x10200] =	vst v63  }
0xa0: {  	v3 =	vld [tilespmem:$0xD0];
	_ =	sdelay $0x4  }
0xa1: {  	v45 =	vshll.u32 v3, $0x1  }
0xa2: {  	v3 =	vand.u32 $0x7, v3;
	v4 =	vand.u32 $0xFFFFFFF0, v45  }
0xa3: {  	v3 =	vor.u32 v3, v4  }
0xa4: {  	v4 =	vperm.xlane v3, v0;
	_ =	sdelay $0x1  }
0xa5: {  	v3 =	vperm.xlane v3, v2;
	v4 =	vadd.s32 v1, v4;
	_ =	sdelay $0x1  }
0xa6: {  	v3 =	vadd.s32 v1, v3;
	_ =	sdelay $0x1  }
0xa7: {  	s21 =	simm.s32 $0xD200  }
0xa8: {  	[tilespmem:s21], [sflag:$0x4] =	stream.indirect_vreg.gather [hbm4b:s1+s3], $0x80, v4, vm0, $0xb8;
	[tilespmem:$0x10200] =	vst v63  }
0xa9: {  	s21 =	simm.s32 $0xDA00  }
0xaa: {  	[tilespmem:s21], [sflag:$0x4] =	stream.indirect_vreg.gather [hbm4b:s1+s3], $0x80, v3, vm0, $0xb8;
	[tilespmem:$0x10200] =	vst v63  }
0xab: {  	v3 =	vld [tilespmem:$0xE0];
	_ =	sdelay $0x4  }
0xac: {  	v46 =	vshll.u32 v3, $0x1  }
0xad: {  	v3 =	vand.u32 $0x7, v3;
	v4 =	vand.u32 $0xFFFFFFF0, v46  }
0xae: {  	v3 =	vor.u32 v3, v4  }
0xaf: {  	v4 =	vperm.xlane v3, v0;
	_ =	sdelay $0x1  }
0xb0: {  	v3 =	vperm.xlane v3, v2;
	v4 =	vadd.s32 v1, v4;
	_ =	sdelay $0x1  }
0xb1: {  	v3 =	vadd.s32 v1, v3;
	_ =	sdelay $0x1  }
0xb2: {  	s21 =	simm.s32 $0xE200  }
0xb3: {  	[tilespmem:s21], [sflag:$0x4] =	stream.indirect_vreg.gather [hbm4b:s1+s3], $0x80, v4, vm0, $0xb8;
	[tilespmem:$0x10200] =	vst v63  }
0xb4: {  	s21 =	simm.s32 $0xEA00  }
0xb5: {  	[tilespmem:s21], [sflag:$0x4] =	stream.indirect_vreg.gather [hbm4b:s1+s3], $0x80, v3, vm0, $0xb8;
	[tilespmem:$0x10200] =	vst v63  }
0xb6: {  	v3 =	vld [tilespmem:$0xF0];
	_ =	sdelay $0x4  }
0xb7: {  	v47 =	vshll.u32 v3, $0x1  }
0xb8: {  	v3 =	vand.u32 $0x7, v3;
	v4 =	vand.u32 $0xFFFFFFF0, v47  }
0xb9: {  	v3 =	vor.u32 v3, v4  }
0xba: {  	v4 =	vperm.xlane v3, v0;
	_ =	sdelay $0x1  }
0xbb: {  	v3 =	vperm.xlane v3, v2;
	v4 =	vadd.s32 v1, v4;
	_ =	sdelay $0x1  }
0xbc: {  	v3 =	vadd.s32 v1, v3;
	_ =	sdelay $0x1  }
0xbd: {  	s21 =	simm.s32 $0xF200  }
0xbe: {  	[tilespmem:s21], [sflag:$0x4] =	stream.indirect_vreg.gather [hbm4b:s1+s3], $0x80, v4, vm0, $0xb8;
	[tilespmem:$0x10200] =	vst v63  }
0xbf: {  	s21 =	simm.s32 $0xFA00  }
0xc0: {  	[tilespmem:s21], [sflag:$0x4] =	stream.indirect_vreg.gather [hbm4b:s1+s3], $0x80, v3, vm0, $0xb8;
	[tilespmem:$0x10200] =	vst v63  }
0xc1: {  	_ =	swait.ge [sflag:s20], $0x4000  }
0xc2: {  	[sflag:s20] =	ssyncset.done $0x0  }
0xc3: {  	s21 =	simm.s32 $0x200;
	s6 =	rddreg [dreg:$0xc];
	[sflag:s20] =	ssyncadd.s32 $0xFFFFC000  }
0xc4: {  	[hbm4b:s6+s3] =	stream.linear.scatter [tilespmem:s21], [sflag:$0x5], $0x4000, $0x38;
	[tilespmem:$0x10200] =	vst v63  }
0xc5: {  	s6 =	simm.s32 $0x5  }
0xc6: {  	_ =	swait.ge [sflag:s6], $0x4000  }
0xc7: {  	[sflag:s6] =	ssyncset.done $0x0  }
0xc8: {  	[sflag:s6] =	ssyncadd.s32 $0xFFFFC000  }
0xc9: {  	v3 =	vld [tilespmem:$0x100];
	_ =	sdelay $0x4  }
0xca: {  	v48 =	vshll.u32 v3, $0x1  }
0xcb: {  	v3 =	vand.u32 $0x7, v3;
	v4 =	vand.u32 $0xFFFFFFF0, v48  }
0xcc: {  	v3 =	vor.u32 v3, v4  }
0xcd: {  	v4 =	vperm.xlane v3, v0;
	_ =	sdelay $0x1  }
0xce: {  	v3 =	vperm.xlane v3, v2;
	v4 =	vadd.s32 v1, v4;
	_ =	sdelay $0x1  }
0xcf: {  	v3 =	vadd.s32 v1, v3;
	_ =	sdelay $0x2  }
0xd0: {  	[tilespmem:s21], [sflag:$0x1] =	stream.indirect_vreg.gather [hbm4b:s1+s3], $0x80, v4, vm0, $0xb8;
	[tilespmem:$0x10200] =	vst v63  }
0xd1: {  	_ = 	snop  }
0xd2: {  	[tilespmem:s24], [sflag:$0x1] =	stream.indirect_vreg.gather [hbm4b:s1+s3], $0x80, v3, vm0, $0xb8;
	[tilespmem:$0x10200] =	vst v63  }
0xd3: {  	v3 =	vld [tilespmem:$0x110];
	_ =	sdelay $0x4  }
0xd4: {  	v49 =	vshll.u32 v3, $0x1  }
0xd5: {  	v3 =	vand.u32 $0x7, v3;
	v4 =	vand.u32 $0xFFFFFFF0, v49  }
0xd6: {  	v3 =	vor.u32 v3, v4  }
0xd7: {  	v4 =	vperm.xlane v3, v0;
	_ =	sdelay $0x1  }
0xd8: {  	v3 =	vperm.xlane v3, v2;
	v4 =	vadd.s32 v1, v4;
	_ =	sdelay $0x1  }
0xd9: {  	v3 =	vadd.s32 v1, v3;
	_ =	sdelay $0x2  }
0xda: {  	[tilespmem:s25], [sflag:$0x1] =	stream.indirect_vreg.gather [hbm4b:s1+s3], $0x80, v4, vm0, $0xb8;
	[tilespmem:$0x10200] =	vst v63  }
0xdb: {  	_ = 	snop  }
0xdc: {  	[tilespmem:s26], [sflag:$0x1] =	stream.indirect_vreg.gather [hbm4b:s1+s3], $0x80, v3, vm0, $0xb8;
	[tilespmem:$0x10200] =	vst v63  }
0xdd: {  	v3 =	vld [tilespmem:$0x120];
	_ =	sdelay $0x4  }
0xde: {  	v50 =	vshll.u32 v3, $0x1  }
0xdf: {  	v3 =	vand.u32 $0x7, v3;
	v4 =	vand.u32 $0xFFFFFFF0, v50  }
0xe0: {  	v3 =	vor.u32 v3, v4  }
0xe1: {  	v4 =	vperm.xlane v3, v0;
	_ =	sdelay $0x1  }
0xe2: {  	v3 =	vperm.xlane v3, v2;
	v4 =	vadd.s32 v1, v4;
	_ =	sdelay $0x1  }
0xe3: {  	v3 =	vadd.s32 v1, v3;
	_ =	sdelay $0x2  }
0xe4: {  	[tilespmem:s28], [sflag:$0x1] =	stream.indirect_vreg.gather [hbm4b:s1+s3], $0x80, v4, vm0, $0xb8;
	[tilespmem:$0x10200] =	vst v63  }
0xe5: {  	_ = 	snop  }
0xe6: {  	[tilespmem:s29], [sflag:$0x1] =	stream.indirect_vreg.gather [hbm4b:s1+s3], $0x80, v3, vm0, $0xb8;
	[tilespmem:$0x10200] =	vst v63  }
0xe7: {  	v3 =	vld [tilespmem:$0x130];
	_ =	sdelay $0x4  }
0xe8: {  	v51 =	vshll.u32 v3, $0x1  }
0xe9: {  	v3 =	vand.u32 $0x7, v3;
	v4 =	vand.u32 $0xFFFFFFF0, v51  }
0xea: {  	v3 =	vor.u32 v3, v4  }
0xeb: {  	v4 =	vperm.xlane v3, v0;
	_ =	sdelay $0x1  }
0xec: {  	v3 =	vperm.xlane v3, v2;
	v4 =	vadd.s32 v1, v4;
	_ =	sdelay $0x1  }
0xed: {  	v3 =	vadd.s32 v1, v3;
	_ =	sdelay $0x2  }
0xee: {  	[tilespmem:s30], [sflag:$0x1] =	stream.indirect_vreg.gather [hbm4b:s1+s3], $0x80, v4, vm0, $0xb8;
	[tilespmem:$0x10200] =	vst v63  }
0xef: {  	s25 =	simm.s32 $0x2  }
0xf0: {  	[tilespmem:s31], [sflag:$0x1] =	stream.indirect_vreg.gather [hbm4b:s1+s3], $0x80, v3, vm0, $0xb8;
	[tilespmem:$0x10200] =	vst v63  }
0xf1: {  	_ =	swait.ge [sflag:s25], $0x4000  }
0xf2: {  	[sflag:s25] =	ssyncset.done $0x0  }
0xf3: {  	s26 =	rddreg [dreg:$0x5];
	[sflag:s25] =	ssyncadd.s32 $0xFFFFC000  }
0xf4: {  	[hbm4b:s26+s3] =	stream.linear.scatter [tilespmem:s23], [sflag:$0x6], $0x4000, $0x38;
	[tilespmem:$0x10200] =	vst v63  }
0xf5: {  	s26 =	simm.s32 $0x6  }
0xf6: {  	_ =	swait.ge [sflag:s26], $0x4000  }
0xf7: {  	[sflag:s26] =	ssyncset.done $0x0  }
0xf8: {  	[sflag:s26] =	ssyncadd.s32 $0xFFFFC000  }
0xf9: {  	v3 =	vld [tilespmem:$0x140];
	_ =	sdelay $0x4  }
0xfa: {  	v52 =	vshll.u32 v3, $0x1  }
0xfb: {  	v3 =	vand.u32 $0x7, v3;
	v4 =	vand.u32 $0xFFFFFFF0, v52  }
0xfc: {  	v3 =	vor.u32 v3, v4  }
0xfd: {  	v4 =	vperm.xlane v3, v0;
	_ =	sdelay $0x1  }
0xfe: {  	v3 =	vperm.xlane v3, v2;
	v4 =	vadd.s32 v1, v4;
	_ =	sdelay $0x1  }
0xff: {  	v3 =	vadd.s32 v1, v3;
	_ =	sdelay $0x2  }
0x100: {  	[tilespmem:s23], [sflag:$0x2] =	stream.indirect_vreg.gather [hbm4b:s1+s3], $0x80, v4, vm0, $0xb8;
	[tilespmem:$0x10200] =	vst v63  }
0x101: {  	_ = 	snop  }
0x102: {  	[tilespmem:s0], [sflag:$0x2] =	stream.indirect_vreg.gather [hbm4b:s1+s3], $0x80, v3, vm0, $0xb8;
	[tilespmem:$0x10200] =	vst v63  }
0x103: {  	v3 =	vld [tilespmem:$0x150];
	_ =	sdelay $0x4  }
0x104: {  	v53 =	vshll.u32 v3, $0x1  }
0x105: {  	v3 =	vand.u32 $0x7, v3;
	v4 =	vand.u32 $0xFFFFFFF0, v53  }
0x106: {  	v3 =	vor.u32 v3, v4  }
0x107: {  	v4 =	vperm.xlane v3, v0;
	_ =	sdelay $0x1  }
0x108: {  	v3 =	vperm.xlane v3, v2;
	v4 =	vadd.s32 v1, v4;
	_ =	sdelay $0x1  }
0x109: {  	v3 =	vadd.s32 v1, v3;
	_ =	sdelay $0x2  }
0x10a: {  	[tilespmem:s8], [sflag:$0x2] =	stream.indirect_vreg.gather [hbm4b:s1+s3], $0x80, v4, vm0, $0xb8;
	[tilespmem:$0x10200] =	vst v63  }
0x10b: {  	_ = 	snop  }
0x10c: {  	[tilespmem:s9], [sflag:$0x2] =	stream.indirect_vreg.gather [hbm4b:s1+s3], $0x80, v3, vm0, $0xb8;
	[tilespmem:$0x10200] =	vst v63  }
0x10d: {  	v3 =	vld [tilespmem:$0x160];
	_ =	sdelay $0x4  }
0x10e: {  	v54 =	vshll.u32 v3, $0x1  }
0x10f: {  	v3 =	vand.u32 $0x7, v3;
	v4 =	vand.u32 $0xFFFFFFF0, v54  }
0x110: {  	v3 =	vor.u32 v3, v4  }
0x111: {  	v4 =	vperm.xlane v3, v0;
	_ =	sdelay $0x1  }
0x112: {  	v3 =	vperm.xlane v3, v2;
	v4 =	vadd.s32 v1, v4;
	_ =	sdelay $0x1  }
0x113: {  	v3 =	vadd.s32 v1, v3;
	_ =	sdelay $0x2  }
0x114: {  	[tilespmem:s10], [sflag:$0x2] =	stream.indirect_vreg.gather [hbm4b:s1+s3], $0x80, v4, vm0, $0xb8;
	[tilespmem:$0x10200] =	vst v63  }
0x115: {  	_ = 	snop  }
0x116: {  	[tilespmem:s11], [sflag:$0x2] =	stream.indirect_vreg.gather [hbm4b:s1+s3], $0x80, v3, vm0, $0xb8;
	[tilespmem:$0x10200] =	vst v63  }
0x117: {  	v3 =	vld [tilespmem:$0x170];
	_ =	sdelay $0x4  }
0x118: {  	v55 =	vshll.u32 v3, $0x1  }
0x119: {  	v3 =	vand.u32 $0x7, v3;
	v4 =	vand.u32 $0xFFFFFFF0, v55  }
0x11a: {  	v3 =	vor.u32 v3, v4  }
0x11b: {  	v4 =	vperm.xlane v3, v0;
	_ =	sdelay $0x1  }
0x11c: {  	v3 =	vperm.xlane v3, v2;
	v4 =	vadd.s32 v1, v4;
	_ =	sdelay $0x1  }
0x11d: {  	v3 =	vadd.s32 v1, v3;
	_ =	sdelay $0x2  }
0x11e: {  	[tilespmem:s12], [sflag:$0x2] =	stream.indirect_vreg.gather [hbm4b:s1+s3], $0x80, v4, vm0, $0xb8;
	[tilespmem:$0x10200] =	vst v63  }
0x11f: {  	s0 =	simm.s32 $0x3  }
0x120: {  	[tilespmem:s13], [sflag:$0x2] =	stream.indirect_vreg.gather [hbm4b:s1+s3], $0x80, v3, vm0, $0xb8;
	[tilespmem:$0x10200] =	vst v63  }
0x121: {  	_ =	swait.ge [sflag:s0], $0x4000  }
0x122: {  	[sflag:s0] =	ssyncset.done $0x0  }
0x123: {  	s8 =	rddreg [dreg:$0x6];
	[sflag:s0] =	ssyncadd.s32 $0xFFFFC000  }
0x124: {  	[hbm4b:s8+s3] =	stream.linear.scatter [tilespmem:s2], [sflag:$0x7], $0x4000, $0x38;
	[tilespmem:$0x10200] =	vst v63  }
0x125: {  	s8 =	simm.s32 $0x7  }
0x126: {  	_ =	swait.ge [sflag:s8], $0x4000  }
0x127: {  	[sflag:s8] =	ssyncset.done $0x0  }
0x128: {  	[sflag:s8] =	ssyncadd.s32 $0xFFFFC000  }
0x129: {  	v3 =	vld [tilespmem:$0x180];
	_ =	sdelay $0x4  }
0x12a: {  	v56 =	vshll.u32 v3, $0x1  }
0x12b: {  	v3 =	vand.u32 $0x7, v3;
	v4 =	vand.u32 $0xFFFFFFF0, v56  }
0x12c: {  	v3 =	vor.u32 v3, v4  }
0x12d: {  	v4 =	vperm.xlane v3, v0;
	_ =	sdelay $0x1  }
0x12e: {  	v3 =	vperm.xlane v3, v2;
	v4 =	vadd.s32 v1, v4;
	_ =	sdelay $0x1  }
0x12f: {  	v3 =	vadd.s32 v1, v3;
	_ =	sdelay $0x2  }
0x130: {  	[tilespmem:s2], [sflag:$0x3] =	stream.indirect_vreg.gather [hbm4b:s1+s3], $0x80, v4, vm0, $0xb8;
	[tilespmem:$0x10200] =	vst v63  }
0x131: {  	_ = 	snop  }
0x132: {  	[tilespmem:s4], [sflag:$0x3] =	stream.indirect_vreg.gather [hbm4b:s1+s3], $0x80, v3, vm0, $0xb8;
	[tilespmem:$0x10200] =	vst v63  }
0x133: {  	v3 =	vld [tilespmem:$0x190];
	_ =	sdelay $0x4  }
0x134: {  	v57 =	vshll.u32 v3, $0x1  }
0x135: {  	v3 =	vand.u32 $0x7, v3;
	v4 =	vand.u32 $0xFFFFFFF0, v57  }
0x136: {  	v3 =	vor.u32 v3, v4  }
0x137: {  	v4 =	vperm.xlane v3, v0;
	_ =	sdelay $0x1  }
0x138: {  	v3 =	vperm.xlane v3, v2;
	v4 =	vadd.s32 v1, v4;
	_ =	sdelay $0x1  }
0x139: {  	v3 =	vadd.s32 v1, v3;
	_ =	sdelay $0x2  }
0x13a: {  	[tilespmem:s7], [sflag:$0x3] =	stream.indirect_vreg.gather [hbm4b:s1+s3], $0x80, v4, vm0, $0xb8;
	[tilespmem:$0x10200] =	vst v63  }
0x13b: {  	_ = 	snop  }
0x13c: {  	[tilespmem:s14], [sflag:$0x3] =	stream.indirect_vreg.gather [hbm4b:s1+s3], $0x80, v3, vm0, $0xb8;
	[tilespmem:$0x10200] =	vst v63  }
0x13d: {  	v3 =	vld [tilespmem:$0x1A0];
	_ =	sdelay $0x4  }
0x13e: {  	v58 =	vshll.u32 v3, $0x1  }
0x13f: {  	v3 =	vand.u32 $0x7, v3;
	v4 =	vand.u32 $0xFFFFFFF0, v58  }
0x140: {  	v3 =	vor.u32 v3, v4  }
0x141: {  	v4 =	vperm.xlane v3, v0;
	_ =	sdelay $0x1  }
0x142: {  	v3 =	vperm.xlane v3, v2;
	v4 =	vadd.s32 v1, v4;
	_ =	sdelay $0x1  }
0x143: {  	v3 =	vadd.s32 v1, v3;
	_ =	sdelay $0x2  }
0x144: {  	[tilespmem:s15], [sflag:$0x3] =	stream.indirect_vreg.gather [hbm4b:s1+s3], $0x80, v4, vm0, $0xb8;
	[tilespmem:$0x10200] =	vst v63  }
0x145: {  	_ = 	snop  }
0x146: {  	[tilespmem:s16], [sflag:$0x3] =	stream.indirect_vreg.gather [hbm4b:s1+s3], $0x80, v3, vm0, $0xb8;
	[tilespmem:$0x10200] =	vst v63  }
0x147: {  	v3 =	vld [tilespmem:$0x1B0];
	_ =	sdelay $0x4  }
0x148: {  	v59 =	vshll.u32 v3, $0x1  }
0x149: {  	v3 =	vand.u32 $0x7, v3;
	v4 =	vand.u32 $0xFFFFFFF0, v59  }
0x14a: {  	v3 =	vor.u32 v3, v4  }
0x14b: {  	v4 =	vperm.xlane v3, v0;
	_ =	sdelay $0x1  }
0x14c: {  	v3 =	vperm.xlane v3, v2;
	v4 =	vadd.s32 v1, v4;
	_ =	sdelay $0x1  }
0x14d: {  	v3 =	vadd.s32 v1, v3;
	_ =	sdelay $0x2  }
0x14e: {  	[tilespmem:s17], [sflag:$0x3] =	stream.indirect_vreg.gather [hbm4b:s1+s3], $0x80, v4, vm0, $0xb8;
	[tilespmem:$0x10200] =	vst v63  }
0x14f: {  	s4 =	simm.s32 $0x4  }
0x150: {  	[tilespmem:s18], [sflag:$0x3] =	stream.indirect_vreg.gather [hbm4b:s1+s3], $0x80, v3, vm0, $0xb8;
	[tilespmem:$0x10200] =	vst v63  }
0x151: {  	_ =	swait.ge [sflag:s4], $0x4000  }
0x152: {  	[sflag:s4] =	ssyncset.done $0x0  }
0x153: {  	s7 =	rddreg [dreg:$0x7];
	[sflag:s4] =	ssyncadd.s32 $0xFFFFC000  }
0x154: {  	[hbm4b:s7+s3] =	stream.linear.scatter [tilespmem:s19], [sflag:$0x8], $0x4000, $0x38;
	[tilespmem:$0x10200] =	vst v63  }
0x155: {  	_ =	swait.ge [sflag:s22], $0x4000  }
0x156: {  	[sflag:s22] =	ssyncset.done $0x0  }
0x157: {  	[sflag:s22] =	ssyncadd.s32 $0xFFFFC000  }
0x158: {  	v3 =	vld [tilespmem:$0x1C0];
	_ =	sdelay $0x4  }
0x159: {  	v60 =	vshll.u32 v3, $0x1  }
0x15a: {  	v3 =	vand.u32 $0x7, v3;
	v4 =	vand.u32 $0xFFFFFFF0, v60  }
0x15b: {  	v3 =	vor.u32 v3, v4  }
0x15c: {  	v4 =	vperm.xlane v3, v0;
	_ =	sdelay $0x1  }
0x15d: {  	v3 =	vperm.xlane v3, v2;
	v4 =	vadd.s32 v1, v4;
	_ =	sdelay $0x1  }
0x15e: {  	v3 =	vadd.s32 v1, v3;
	_ =	sdelay $0x2  }
0x15f: {  	[tilespmem:s19], [sflag:$0x4] =	stream.indirect_vreg.gather [hbm4b:s1+s3], $0x80, v4, vm0, $0xb8;
	[tilespmem:$0x10200] =	vst v63  }
0x160: {  	s24 =	simm.s32 $0xCA00  }
0x161: {  	[tilespmem:s24], [sflag:$0x4] =	stream.indirect_vreg.gather [hbm4b:s1+s3], $0x80, v3, vm0, $0xb8;
	[tilespmem:$0x10200] =	vst v63  }
0x162: {  	v3 =	vld [tilespmem:$0x1D0];
	_ =	sdelay $0x4  }
0x163: {  	v61 =	vshll.u32 v3, $0x1  }
0x164: {  	v3 =	vand.u32 $0x7, v3;
	v4 =	vand.u32 $0xFFFFFFF0, v61  }
0x165: {  	v3 =	vor.u32 v3, v4  }
0x166: {  	v4 =	vperm.xlane v3, v0;
	_ =	sdelay $0x1  }
0x167: {  	v3 =	vperm.xlane v3, v2;
	v4 =	vadd.s32 v1, v4;
	_ =	sdelay $0x1  }
0x168: {  	v3 =	vadd.s32 v1, v3;
	_ =	sdelay $0x1  }
0x169: {  	s24 =	simm.s32 $0xD200  }
0x16a: {  	[tilespmem:s24], [sflag:$0x4] =	stream.indirect_vreg.gather [hbm4b:s1+s3], $0x80, v4, vm0, $0xb8;
	[tilespmem:$0x10200] =	vst v63  }
0x16b: {  	s24 =	simm.s32 $0xDA00  }
0x16c: {  	[tilespmem:s24], [sflag:$0x4] =	stream.indirect_vreg.gather [hbm4b:s1+s3], $0x80, v3, vm0, $0xb8;
	[tilespmem:$0x10200] =	vst v63  }
0x16d: {  	v3 =	vld [tilespmem:$0x1E0];
	_ =	sdelay $0x4  }
0x16e: {  	v62 =	vshll.u32 v3, $0x1  }
0x16f: {  	v3 =	vand.u32 $0x7, v3;
	v4 =	vand.u32 $0xFFFFFFF0, v62  }
0x170: {  	v3 =	vor.u32 v3, v4  }
0x171: {  	v4 =	vperm.xlane v3, v0;
	_ =	sdelay $0x1  }
0x172: {  	v3 =	vperm.xlane v3, v2;
	v4 =	vadd.s32 v1, v4;
	_ =	sdelay $0x1  }
0x173: {  	v3 =	vadd.s32 v1, v3;
	_ =	sdelay $0x1  }
0x174: {  	s24 =	simm.s32 $0xE200  }
0x175: {  	[tilespmem:s24], [sflag:$0x4] =	stream.indirect_vreg.gather [hbm4b:s1+s3], $0x80, v4, vm0, $0xb8;
	[tilespmem:$0x10200] =	vst v63  }
0x176: {  	s24 =	simm.s32 $0xEA00  }
0x177: {  	[tilespmem:s24], [sflag:$0x4] =	stream.indirect_vreg.gather [hbm4b:s1+s3], $0x80, v3, vm0, $0xb8;
	[tilespmem:$0x10200] =	vst v63  }
0x178: {  	v3 =	vld [tilespmem:$0x1F0];
	_ =	sdelay $0x4  }
0x179: {  	v63 =	vshll.u32 v3, $0x1  }
0x17a: {  	v3 =	vand.u32 $0x7, v3;
	v4 =	vand.u32 $0xFFFFFFF0, v63  }
0x17b: {  	v3 =	vor.u32 v3, v4  }
0x17c: {  	v4 =	vperm.xlane v3, v0;
	_ =	sdelay $0x1  }
0x17d: {  	v3 =	vperm.xlane v3, v2;
	v4 =	vadd.s32 v1, v4;
	_ =	sdelay $0x1  }
0x17e: {  	v3 =	vadd.s32 v1, v3;
	_ =	sdelay $0x1  }
0x17f: {  	s24 =	simm.s32 $0xF200  }
0x180: {  	[tilespmem:s24], [sflag:$0x4] =	stream.indirect_vreg.gather [hbm4b:s1+s3], $0x80, v4, vm0, $0xb8;
	[tilespmem:$0x10200] =	vst v63  }
0x181: {  	s24 =	simm.s32 $0xFA00  }
0x182: {  	[tilespmem:s24], [sflag:$0x4] =	stream.indirect_vreg.gather [hbm4b:s1+s3], $0x80, v3, vm0, $0xb8;
	[tilespmem:$0x10200] =	vst v63  }
0x183: {  	_ =	swait.ge [sflag:s20], $0x4000  }
0x184: {  	[sflag:s20] =	ssyncset.done $0x0  }
0x185: {  	s21 =	simm.s32 $0x200;
	s7 =	rddreg [dreg:$0x8];
	[sflag:s20] =	ssyncadd.s32 $0xFFFFC000  }
0x186: {  	[hbm4b:s7+s3] =	stream.linear.scatter [tilespmem:s21], [sflag:$0x5], $0x4000, $0x38;
	[tilespmem:$0x10200] =	vst v63  }
0x187: {  	_ =	swait.ge [sflag:s25], $0x4000  }
0x188: {  	[sflag:s25] =	ssyncset.done $0x0  }
0x189: {  	s7 =	rddreg [dreg:$0x9];
	[sflag:s25] =	ssyncadd.s32 $0xFFFFC000  }
0x18a: {  	[hbm4b:s7+s3] =	stream.linear.scatter [tilespmem:s23], [sflag:$0x6], $0x4000, $0x38;
	[tilespmem:$0x10200] =	vst v63  }
0x18b: {  	_ =	swait.ge [sflag:s0], $0x4000  }
0x18c: {  	[sflag:s0] =	ssyncset.done $0x0  }
0x18d: {  	s21 =	rddreg [dreg:$0xa];
	[sflag:s0] =	ssyncadd.s32 $0xFFFFC000  }
0x18e: {  	[hbm4b:s21+s3] =	stream.linear.scatter [tilespmem:s2], [sflag:$0x7], $0x4000, $0x38;
	[tilespmem:$0x10200] =	vst v63  }
0x18f: {  	_ =	swait.ge [sflag:s4], $0x4000  }
0x190: {  	[sflag:s4] =	ssyncset.done $0x0  }
0x191: {  	s25 =	rddreg [dreg:$0xb];
	[sflag:s4] =	ssyncadd.s32 $0xFFFFC000  }
0x192: {  	[hbm4b:s25+s3] =	stream.linear.scatter [tilespmem:s19], [sflag:$0x8], $0x4000, $0x38;
	[tilespmem:$0x10200] =	vst v63  }
0x193: {  	_ =	swait.ge [sflag:s6], $0x4000  }
0x194: {  	[sflag:s6] =	ssyncset.done $0x0  }
0x195: {  	[sflag:s6] =	ssyncadd.s32 $0xFFFFC000  }
0x196: {  	_ =	swait.ge [sflag:s26], $0x4000  }
0x197: {  	[sflag:s26] =	ssyncset.done $0x0  }
0x198: {  	[sflag:s26] =	ssyncadd.s32 $0xFFFFC000  }
0x199: {  	p0 =	sne.s32 s5, $0x1;
	_ =	swait.ge [sflag:s8], $0x4000  }
.Ltmp0:
0x19a: {  	[sflag:s8] =	ssyncset.done $0x0;
	(pc) =	sbr.rel @p0 .LBB2_1-.Ltmp0, $4  }
0x19b: {  	[sflag:s8] =	ssyncadd.s32 $0xFFFFC000  }
0x19c: {  	_ =	swait.ge [sflag:s22], $0x4000  }
0x19d: {  	[sflag:s22] =	ssyncset.done $0x0  }
0x19e: {  	s5 =	sadd.s32 $0xFFFFFFFF, s5;
	[sflag:s22] =	ssyncadd.s32 $0xFFFFC000  }
0x19f: {  	_ =	sfence.sel $0x180000  }
0x1a0: {  	[bflag:$0x0] =	sbarrier.arrive $0xFFFF  }
0x1a1: {  	_ =	strace $0x90000047  }
0x1a2: {  	s0 =	stileid.u32;
	[bflag:$0x2] =	sbarrier.arrive $0xFFFF  }
0x1a3: {  	p0 =	sne.s32 s0, $0x0;
	s0 =	rddreg [dreg:$0x3]  }
0x1a4: {  	s0 =	sadd.s32 @!p0 $0x100000, s0  }
0x1a5: {  	[sflag:s0] =	ssyncadd.tile.s32 @!p0 $0x1;
	_ =	shalt  }
.Lfunc_end2:
_tile_overlayer_lowered:
.L_overlay_start_2:
0x1a6: {  	(tag) =	ssettag $0x2  }
0x1a7: {  	s0 =	rddreg [dreg:$0x0];
	s2 =	stileid.u32  }
0x1a8: {  	s1 =	rddreg [dreg:$0x1];
	p0 =	sne.s32 s2, $0x0  }
0x1a9: {  	s3 =	rddreg [dreg:$0x2];
	[bflag:$0x3] =	sbarrier.arrive $0xFFFF;
	s2 =	simm.s32 @!p0 $0x1C09  }
0x1aa: {  	[timem:s3], [sflag:s2] =	dma.local @!p0 [hbm:s0], s1  }
0x1ab: {  	s0 =	simm.s32 @!p0 $0x9  }
0x1ac: {  	_ =	swait.ge @!p0 [sflag:s0], s1  }
0x1ad: {  	s1 =	ssub.s32 @!p0 $0x0, s1;
	[sflag:s0] =	ssyncset.done @!p0 $0x0  }
0x1ae: {  	[sflag:s0] =	ssyncadd.s32 @!p0 s1  }
0x1af: {  	[bflag:$0x3] =	sbarrier.arrive $0xFFFF  }
0x1b0: {  	_ =	shalt  }

</sc_bundles>
